<compile_context>
chip_gen: v7x
topology: tpu7x:2x2x1
jax: 0.10.2.dev20260603
libtpu: 0.0.44.dev20260713+nightly
codegen_flags: <defaults>
</compile_context>

<pallas_src>
import functools

import jax
import jax.numpy as jnp
from jax import lax
from jax.experimental import pallas as pl
from jax.experimental.pallas import tpu as pltpu
from jax.experimental.pallas import tpu_sc as plsc

N = 65536
NBUCKETS = 512
NC = 2
NS = 16
NW = NC * NS
PER_W = N // NW
LANES = 16
CHUNKS = PER_W // LANES
SLAB = 8


def _sc_binning_kernel(pred_hbm, dur_hbm, ev_hbm, out_hbm,
                       pred_v, dur_v, ev_v, acc_v, sem):
    wid = lax.axis_index("s") * NC + lax.axis_index("c")
    base = wid * PER_W
    cp_p = pltpu.async_copy(pred_hbm.at[pl.ds(base, PER_W)], pred_v, sem)
    cp_d = pltpu.async_copy(dur_hbm.at[pl.ds(base, PER_W)], dur_v, sem)
    cp_e = pltpu.async_copy(ev_hbm.at[pl.ds(base, PER_W)], ev_v, sem)

    zeros16 = jnp.zeros((LANES,), jnp.float32)

    @plsc.parallel_loop(0, 3 * NBUCKETS // LANES, unroll=4)
    def zero_body(i):
        acc_v[pl.ds(i * LANES, LANES)] = zeros16

    cp_p.wait()
    cp_d.wait()
    cp_e.wait()

    @plsc.parallel_loop(0, CHUNKS, unroll=8)
    def body(i):
        s = pl.ds(i * LANES, LANES)
        y = pred_v[s]
        d = dur_v[s]
        e = ev_v[s].astype(jnp.float32)
        expy = jnp.exp(jnp.clip(y, -20.0, 20.0))
        plsc.addupdate_scatter(acc_v, [d], expy)
        plsc.addupdate_scatter(acc_v, [d + NBUCKETS], y * e)
        plsc.addupdate_scatter(acc_v, [d + 2 * NBUCKETS], e)

    pltpu.sync_copy(acc_v, out_hbm.at[pl.ds(3 * NBUCKETS * wid, 3 * NBUCKETS)])


def _sc_binning(pred, durations, events):
    mesh = plsc.VectorSubcoreMesh(core_axis_name="c", subcore_axis_name="s")
    kern = functools.partial(
        pl.kernel,
        mesh=mesh,
        out_type=jax.ShapeDtypeStruct((3 * NBUCKETS * NW,), jnp.float32),
        scratch_types=[
            pltpu.VMEM((PER_W,), jnp.float32),
            pltpu.VMEM((PER_W,), jnp.int32),
            pltpu.VMEM((PER_W,), jnp.int32),
            pltpu.VMEM((3 * NBUCKETS,), jnp.float32),
            pltpu.SemaphoreType.DMA,
        ],
        compiler_params=pltpu.CompilerParams(needs_layout_passes=False),
    )(_sc_binning_kernel)
    return kern(pred, durations, events)


def _tc_finalize_kernel(x_ref, o_ref):
    s_exp = jnp.zeros((1, NBUCKETS), jnp.float32)
    s_ye = jnp.zeros((1, NBUCKETS), jnp.float32)
    s_e = jnp.zeros((1, NBUCKETS), jnp.float32)
    for w in range(NW):
        off = 3 * NBUCKETS * w
        s_exp = s_exp + x_ref[pl.ds(off, NBUCKETS)].reshape(1, NBUCKETS)
        s_ye = s_ye + x_ref[pl.ds(off + NBUCKETS, NBUCKETS)].reshape(1, NBUCKETS)
        s_e = s_e + x_ref[pl.ds(off + 2 * NBUCKETS, NBUCKETS)].reshape(1, NBUCKETS)
    col = lax.broadcasted_iota(jnp.int32, (1, NBUCKETS), 1)
    risk = s_exp
    k = 1
    while k < NBUCKETS:
        shifted = pltpu.roll(risk, NBUCKETS - k, 1)
        risk = risk + jnp.where(col < NBUCKETS - k, shifted, 0.0)
        k *= 2
    ll = s_ye - s_e * jnp.log(jnp.maximum(risk, 1e-12))
    total_ll = jnp.sum(jnp.where(s_e > 0.0, ll, 0.0))
    n_events = jnp.maximum(jnp.sum(s_e), 1.0)
    o_ref[...] = jnp.broadcast_to(-total_ll / n_events, (1, 1))


def kernel(pred, durations, events):
    parts = _sc_binning(pred.reshape(-1).astype(jnp.float32),
                        durations.reshape(-1), events.reshape(-1))
    out = pl.pallas_call(
        _tc_finalize_kernel,
        out_shape=jax.ShapeDtypeStruct((1, 1), jnp.float32),
    )(parts)
    return out.reshape(1)

# --- scband reference (transcript-rebuilt; emitter-appended) ---
"""Pipeline reference for scband-cox-loss-56642028700187 (READ-ONLY COPY).

The authoritative reference and input builder live on the scoring server;
editing this copy changes nothing except your own understanding.
"""

import jax, jax.numpy as jnp
import numpy as np

N = 65536

def setup_inputs(seed: int = 0):
    key = jax.random.key(seed)
    k1, k2, k3 = jax.random.split(key, 3)
    pred = jax.random.normal(k1, (N,), dtype=jnp.float32)
    durations = jax.random.randint(k2, (N,), 0, 512, dtype=jnp.int32)
    events = jax.random.randint(k3, (N,), 0, 2, dtype=jnp.int32)
    return {"pred": pred, "durations": durations, "events": events}

def reference(pred, durations, events):
    # CoxLoss(ties='breslow', reduction='mean')
    n = durations.shape[0]
    dur_f = durations.reshape(-1).astype(jnp.float32)
    ev_f = events.reshape(-1).astype(jnp.float32)
    ev_f = jnp.where(jnp.sum(ev_f) == 0, ev_f + 1e-8, ev_f)
    # sort by duration descending (torch.argsort descending)
    order = jnp.argsort(-dur_f, stable=True)
    t = dur_f[order]
    e = ev_f[order]
    # unique-consecutive group boundaries on sorted durations, fixed-shape form
    idx = jnp.arange(n)
    is_start = jnp.concatenate([jnp.array([True]), t[1:] != t[:-1]])
    is_end = jnp.concatenate([t[:-1] != t[1:], jnp.array([True])])
    # propagate each position's group-start index
    start_idx = jax.lax.cummax(jnp.where(is_start, idx, -1), axis=0)
    prev_idx = jnp.maximum(start_idx - 1, 0)
    has_prev = (start_idx > 0).astype(jnp.float32)
    # number of events per tie-group (int truncation like torch `int(sum.item())`)
    cum_e = jnp.cumsum(e)
    m = jnp.floor(cum_e - has_prev * cum_e[prev_idx])
    mask = (m > 0).astype(jnp.float32)

    y = pred.reshape(-1).astype(jnp.float32)[order]
    exp_y = jnp.exp(jnp.clip(y, -20.0, 20.0))
    cum_exp_y = jnp.cumsum(exp_y)
    csum_ye = jnp.cumsum(y * e)
    # Breslow ties: ll_g = sum_{events in g} y  -  m_g * log(R_g)
    sum_pred_events = csum_ye - has_prev * csum_ye[prev_idx]
    R_g = jnp.clip(cum_exp_y, 1e-12, None)
    ll = sum_pred_events - m * jnp.log(R_g)
    total_ll = jnp.sum(is_end.astype(jnp.float32) * mask * ll)
    n_events = jnp.maximum(jnp.sum(e), 1.0)
    loss = -total_ll / n_events  # reduction='mean'
    return loss.reshape(1)

if __name__ == "__main__":
    import jax
    _d = setup_inputs()
    print(jax.jit(kernel)(*tuple(_d.values())))

</pallas_src>

<mosaic_0001>
#map = affine_map<(d0, d1) -> (0)>
module attributes {stable_mosaic.version = 14 : i64} {
  func.func @_sc_binning_kernel(%arg0: i32, %arg1: i32, %arg2: memref<65536xf32, #tpu.memory_space<hbm>>, %arg3: memref<65536xi32, #tpu.memory_space<hbm>>, %arg4: memref<65536xi32, #tpu.memory_space<hbm>>, %arg5: memref<49152xf32, #tpu.memory_space<hbm>>, %arg6: memref<2048xf32, #tpu.memory_space<vmem>>, %arg7: memref<2048xi32, #tpu.memory_space<vmem>>, %arg8: memref<2048xi32, #tpu.memory_space<vmem>>, %arg9: memref<1536xf32, #tpu.memory_space<vmem>>, %arg10: memref<!tpu.dma_semaphore, #tpu.memory_space<semaphore_mem>>) attributes {dimension_semantics = [#tpu.dimension_semantics<core_parallel>, #tpu.dimension_semantics<subcore_parallel>], iteration_bounds = array<i64: 2, 16>, scalar_prefetch = 0 : i64, scratch_operands = 5 : i64, tpu.core_type = #tpu.core_type<sc_vector_subcore>, window_params = [{transform_indices = #map}, {transform_indices = #map}, {transform_indices = #map}, {transform_indices = #map}]} {
    %mul3A = arith.constant 2 : i32
    %mul3A_0 = arith.muli %arg1, %mul3A : i32
    %add3A = arith.addi %mul3A_0, %arg0 : i32
    %mul3A_1 = arith.constant 2048 : i32
    %mul3A_2 = arith.muli %add3A, %mul3A_1 : i32
    %dma_start3A = tpu.memref_slice %arg2[%mul3A_2] : memref<65536xf32, #tpu.memory_space<hbm>> -> memref<2048xf32, #tpu.memory_space<hbm>>
    %dma_start3A_3 = tpu.memref_slice %arg2[%mul3A_2] : memref<65536xf32, #tpu.memory_space<hbm>> -> memref<2048xf32, #tpu.memory_space<hbm>>
    tpu.enqueue_dma source(%dma_start3A_3 : memref<2048xf32, #tpu.memory_space<hbm>>) target(%arg6 : memref<2048xf32, #tpu.memory_space<vmem>>) target_semaphore(%arg10 : memref<!tpu.dma_semaphore, #tpu.memory_space<semaphore_mem>>)
    %dma_start3A_4 = tpu.memref_slice %arg3[%mul3A_2] : memref<65536xi32, #tpu.memory_space<hbm>> -> memref<2048xi32, #tpu.memory_space<hbm>>
    %dma_start3A_5 = tpu.memref_slice %arg3[%mul3A_2] : memref<65536xi32, #tpu.memory_space<hbm>> -> memref<2048xi32, #tpu.memory_space<hbm>>
    tpu.enqueue_dma source(%dma_start3A_5 : memref<2048xi32, #tpu.memory_space<hbm>>) target(%arg7 : memref<2048xi32, #tpu.memory_space<vmem>>) target_semaphore(%arg10 : memref<!tpu.dma_semaphore, #tpu.memory_space<semaphore_mem>>)
    %dma_start3A_6 = tpu.memref_slice %arg4[%mul3A_2] : memref<65536xi32, #tpu.memory_space<hbm>> -> memref<2048xi32, #tpu.memory_space<hbm>>
    %dma_start3A_7 = tpu.memref_slice %arg4[%mul3A_2] : memref<65536xi32, #tpu.memory_space<hbm>> -> memref<2048xi32, #tpu.memory_space<hbm>>
    tpu.enqueue_dma source(%dma_start3A_7 : memref<2048xi32, #tpu.memory_space<hbm>>) target(%arg8 : memref<2048xi32, #tpu.memory_space<vmem>>) target_semaphore(%arg10 : memref<!tpu.dma_semaphore, #tpu.memory_space<semaphore_mem>>)
    %broadcast_in_dim3A = arith.constant 0.000000e+00 : f32
    %broadcast_in_dim3A_8 = vector.broadcast %broadcast_in_dim3A : f32 to vector<16xf32>
    %parallel_loop3A = arith.constant 0 : i32
    %parallel_loop3A_9 = arith.constant 96 : i32
    %parallel_loop3A_10 = arith.constant 1 : i32
    scf.for %parallel_loop3A_21 = %parallel_loop3A to %parallel_loop3A_9 step %parallel_loop3A_10  : i32 {
      %parallel_loop3A_22 = arith.constant 16 : i32
      %parallel_loop3A_23 = arith.muli %parallel_loop3A_21, %parallel_loop3A_22 : i32
      %parallel_loop3A_24 = arith.index_cast %parallel_loop3A_23 : i32 to index
      %parallel_loop3A_25 = tpu.vector_load %arg9[%parallel_loop3A_24] {strides = array<i32>} : memref<1536xf32, #tpu.memory_space<vmem>>, vector<16xf32>,
      tpu.vector_store %arg9[%parallel_loop3A_24], %broadcast_in_dim3A_8 {strides = array<i32>} : memref<1536xf32, #tpu.memory_space<vmem>>, vector<16xf32>,
    } {sc.loop_unroll_factor = 4 : i64, sc.parallel_access}
    %dma_wait3A = tpu.memref_slice %arg2[%mul3A_2] : memref<65536xf32, #tpu.memory_space<hbm>> -> memref<2048xf32, #tpu.memory_space<hbm>>
    %dma_wait3A_11 = tpu.memref_slice %arg2[%mul3A_2] : memref<65536xf32, #tpu.memory_space<hbm>> -> memref<2048xf32, #tpu.memory_space<hbm>>
    tpu.wait_dma2 semaphore(%arg10 : memref<!tpu.dma_semaphore, #tpu.memory_space<semaphore_mem>>) src(%dma_wait3A_11 : memref<2048xf32, #tpu.memory_space<hbm>>) dst(%arg6 : memref<2048xf32, #tpu.memory_space<vmem>>)
    %dma_wait3A_12 = tpu.memref_slice %arg3[%mul3A_2] : memref<65536xi32, #tpu.memory_space<hbm>> -> memref<2048xi32, #tpu.memory_space<hbm>>
    %dma_wait3A_13 = tpu.memref_slice %arg3[%mul3A_2] : memref<65536xi32, #tpu.memory_space<hbm>> -> memref<2048xi32, #tpu.memory_space<hbm>>
    tpu.wait_dma2 semaphore(%arg10 : memref<!tpu.dma_semaphore, #tpu.memory_space<semaphore_mem>>) src(%dma_wait3A_13 : memref<2048xi32, #tpu.memory_space<hbm>>) dst(%arg7 : memref<2048xi32, #tpu.memory_space<vmem>>)
    %dma_wait3A_14 = tpu.memref_slice %arg4[%mul3A_2] : memref<65536xi32, #tpu.memory_space<hbm>> -> memref<2048xi32, #tpu.memory_space<hbm>>
    %dma_wait3A_15 = tpu.memref_slice %arg4[%mul3A_2] : memref<65536xi32, #tpu.memory_space<hbm>> -> memref<2048xi32, #tpu.memory_space<hbm>>
    tpu.wait_dma2 semaphore(%arg10 : memref<!tpu.dma_semaphore, #tpu.memory_space<semaphore_mem>>) src(%dma_wait3A_15 : memref<2048xi32, #tpu.memory_space<hbm>>) dst(%arg8 : memref<2048xi32, #tpu.memory_space<vmem>>)
    %parallel_loop3A_16 = arith.constant 0 : i32
    %parallel_loop3A_17 = arith.constant 128 : i32
    %parallel_loop3A_18 = arith.constant 1 : i32
    scf.for %parallel_loop3A_21 = %parallel_loop3A_16 to %parallel_loop3A_17 step %parallel_loop3A_18  : i32 {
      %parallel_loop3A_22 = arith.constant 16 : i32
      %parallel_loop3A_23 = arith.muli %parallel_loop3A_21, %parallel_loop3A_22 : i32
      %parallel_loop3A_24 = arith.index_cast %parallel_loop3A_23 : i32 to index
      %parallel_loop3A_25 = tpu.vector_load %arg6[%parallel_loop3A_24] {strides = array<i32>} : memref<2048xf32, #tpu.memory_space<vmem>>, vector<16xf32>,
      %parallel_loop3A_26 = arith.index_cast %parallel_loop3A_23 : i32 to index
      %parallel_loop3A_27 = tpu.vector_load %arg7[%parallel_loop3A_26] {strides = array<i32>} : memref<2048xi32, #tpu.memory_space<vmem>>, vector<16xi32>,
      %parallel_loop3A_28 = arith.index_cast %parallel_loop3A_23 : i32 to index
      %parallel_loop3A_29 = tpu.vector_load %arg8[%parallel_loop3A_28] {strides = array<i32>} : memref<2048xi32, #tpu.memory_space<vmem>>, vector<16xi32>,
      %parallel_loop3A_30 = arith.sitofp %parallel_loop3A_29 : vector<16xi32> to vector<16xf32>
      %parallel_loop3A_31 = arith.constant -2.000000e+01 : f32
      %parallel_loop3A_32 = arith.constant 2.000000e+01 : f32
      %parallel_loop3A_33 = vector.broadcast %parallel_loop3A_31 : f32 to vector<16xf32>
      %parallel_loop3A_34 = arith.maximumf %parallel_loop3A_33, %parallel_loop3A_25 : vector<16xf32>
      %parallel_loop3A_35 = vector.broadcast %parallel_loop3A_32 : f32 to vector<16xf32>
      %parallel_loop3A_36 = arith.minimumf %parallel_loop3A_35, %parallel_loop3A_34 : vector<16xf32>
      %parallel_loop3A_37 = math.exp %parallel_loop3A_36 : vector<16xf32>
      tpu.vector_store_idx %arg9[%parallel_loop3A_27], %parallel_loop3A_37 {add = true} : memref<1536xf32, #tpu.memory_space<vmem>>[vector<16xi32>], vector<16xf32>,
      %parallel_loop3A_38 = arith.constant 512 : i32
      %parallel_loop3A_39 = vector.broadcast %parallel_loop3A_38 : i32 to vector<16xi32>
      %parallel_loop3A_40 = arith.addi %parallel_loop3A_27, %parallel_loop3A_39 : vector<16xi32>
      %parallel_loop3A_41 = arith.mulf %parallel_loop3A_25, %parallel_loop3A_30 : vector<16xf32>
      tpu.vector_store_idx %arg9[%parallel_loop3A_40], %parallel_loop3A_41 {add = true} : memref<1536xf32, #tpu.memory_space<vmem>>[vector<16xi32>], vector<16xf32>,
      %parallel_loop3A_42 = arith.constant 1024 : i32
      %parallel_loop3A_43 = vector.broadcast %parallel_loop3A_42 : i32 to vector<16xi32>
      %parallel_loop3A_44 = arith.addi %parallel_loop3A_27, %parallel_loop3A_43 : vector<16xi32>
      tpu.vector_store_idx %arg9[%parallel_loop3A_44], %parallel_loop3A_30 {add = true} : memref<1536xf32, #tpu.memory_space<vmem>>[vector<16xi32>], vector<16xf32>,
    } {sc.loop_unroll_factor = 8 : i64, sc.parallel_access}
    %mul3A_19 = arith.constant 1536 : i32
    %mul3A_20 = arith.muli %mul3A_19, %add3A : i32
    "tpu.region"() ({
      %run_scoped3A = tpu.sem_alloc : memref<!tpu.dma_semaphore, #tpu.memory_space<semaphore_mem>>
      %dma_start3A_21 = tpu.memref_slice %arg5[%mul3A_20] : memref<49152xf32, #tpu.memory_space<hbm>> -> memref<1536xf32, #tpu.memory_space<hbm>>
      %dma_start3A_22 = tpu.memref_slice %arg5[%mul3A_20] : memref<49152xf32, #tpu.memory_space<hbm>> -> memref<1536xf32, #tpu.memory_space<hbm>>
      tpu.enqueue_dma source(%arg9 : memref<1536xf32, #tpu.memory_space<vmem>>) target(%dma_start3A_22 : memref<1536xf32, #tpu.memory_space<hbm>>) target_semaphore(%run_scoped3A : memref<!tpu.dma_semaphore, #tpu.memory_space<semaphore_mem>>)
      %dma_wait3A_23 = tpu.memref_slice %arg5[%mul3A_20] : memref<49152xf32, #tpu.memory_space<hbm>> -> memref<1536xf32, #tpu.memory_space<hbm>>
      %dma_wait3A_24 = tpu.memref_slice %arg5[%mul3A_20] : memref<49152xf32, #tpu.memory_space<hbm>> -> memref<1536xf32, #tpu.memory_space<hbm>>
      tpu.wait_dma2 semaphore(%run_scoped3A : memref<!tpu.dma_semaphore, #tpu.memory_space<semaphore_mem>>) src(%arg9 : memref<1536xf32, #tpu.memory_space<vmem>>) dst(%dma_wait3A_24 : memref<1536xf32, #tpu.memory_space<hbm>>)
      tpu.yield
    }) : () -> ()
    return
  }
}

module attributes {stable_mosaic.version = 14 : i64} {
  func.func @_tc_finalize_kernel(%arg0: memref<49152xf32, #tpu.memory_space<vmem>>, %arg1: memref<1x1xf32, #tpu.memory_space<vmem>>) attributes {dimension_semantics = [], scalar_prefetch = 0 : i64, scratch_operands = 0 : i64, tpu.core_type = #tpu.core_type<tc>} {
    %broadcast_in_dim3A = arith.constant 0.000000e+00 : f32
    %broadcast_in_dim3A_0 = vector.broadcast %broadcast_in_dim3A : f32 to vector<1x512xf32>
    %broadcast_in_dim3A_1 = arith.constant 0.000000e+00 : f32
    %broadcast_in_dim3A_2 = vector.broadcast %broadcast_in_dim3A_1 : f32 to vector<1x512xf32>
    %broadcast_in_dim3A_3 = arith.constant 0.000000e+00 : f32
    %broadcast_in_dim3A_4 = vector.broadcast %broadcast_in_dim3A_3 : f32 to vector<1x512xf32>
    %get3A = arith.constant 0 : index
    %get3A_5 = vector.load %arg0[%get3A] : memref<49152xf32, #tpu.memory_space<vmem>>, vector<512xf32>
    %reshape3A = vector.shape_cast %get3A_5 : vector<512xf32> to vector<1x512xf32>
    %add3A = arith.addf %broadcast_in_dim3A_0, %reshape3A : vector<1x512xf32>
    %get3A_6 = arith.constant 512 : index
    %get3A_7 = vector.load %arg0[%get3A_6] : memref<49152xf32, #tpu.memory_space<vmem>>, vector<512xf32>
    %reshape3A_8 = vector.shape_cast %get3A_7 : vector<512xf32> to vector<1x512xf32>
    %add3A_9 = arith.addf %broadcast_in_dim3A_2, %reshape3A_8 : vector<1x512xf32>
    %get3A_10 = arith.constant 1024 : index
    %get3A_11 = vector.load %arg0[%get3A_10] : memref<49152xf32, #tpu.memory_space<vmem>>, vector<512xf32>
    %reshape3A_12 = vector.shape_cast %get3A_11 : vector<512xf32> to vector<1x512xf32>
    %add3A_13 = arith.addf %broadcast_in_dim3A_4, %reshape3A_12 : vector<1x512xf32>
    %get3A_14 = arith.constant 1536 : index
    %get3A_15 = vector.load %arg0[%get3A_14] : memref<49152xf32, #tpu.memory_space<vmem>>, vector<512xf32>
    %reshape3A_16 = vector.shape_cast %get3A_15 : vector<512xf32> to vector<1x512xf32>
    %add3A_17 = arith.addf %add3A, %reshape3A_16 : vector<1x512xf32>
    %get3A_18 = arith.constant 2048 : index
    %get3A_19 = vector.load %arg0[%get3A_18] : memref<49152xf32, #tpu.memory_space<vmem>>, vector<512xf32>
    %reshape3A_20 = vector.shape_cast %get3A_19 : vector<512xf32> to vector<1x512xf32>
    %add3A_21 = arith.addf %add3A_9, %reshape3A_20 : vector<1x512xf32>
    %get3A_22 = arith.constant 2560 : index
    %get3A_23 = vector.load %arg0[%get3A_22] : memref<49152xf32, #tpu.memory_space<vmem>>, vector<512xf32>
    %reshape3A_24 = vector.shape_cast %get3A_23 : vector<512xf32> to vector<1x512xf32>
    %add3A_25 = arith.addf %add3A_13, %reshape3A_24 : vector<1x512xf32>
    %get3A_26 = arith.constant 3072 : index
    %get3A_27 = vector.load %arg0[%get3A_26] : memref<49152xf32, #tpu.memory_space<vmem>>, vector<512xf32>
    %reshape3A_28 = vector.shape_cast %get3A_27 : vector<512xf32> to vector<1x512xf32>
    %add3A_29 = arith.addf %add3A_17, %reshape3A_28 : vector<1x512xf32>
    %get3A_30 = arith.constant 3584 : index
    %get3A_31 = vector.load %arg0[%get3A_30] : memref<49152xf32, #tpu.memory_space<vmem>>, vector<512xf32>
    %reshape3A_32 = vector.shape_cast %get3A_31 : vector<512xf32> to vector<1x512xf32>
    %add3A_33 = arith.addf %add3A_21, %reshape3A_32 : vector<1x512xf32>
    %get3A_34 = arith.constant 4096 : index
    %get3A_35 = vector.load %arg0[%get3A_34] : memref<49152xf32, #tpu.memory_space<vmem>>, vector<512xf32>
    %reshape3A_36 = vector.shape_cast %get3A_35 : vector<512xf32> to vector<1x512xf32>
    %add3A_37 = arith.addf %add3A_25, %reshape3A_36 : vector<1x512xf32>
    %get3A_38 = arith.constant 4608 : index
    %get3A_39 = vector.load %arg0[%get3A_38] : memref<49152xf32, #tpu.memory_space<vmem>>, vector<512xf32>
    %reshape3A_40 = vector.shape_cast %get3A_39 : vector<512xf32> to vector<1x512xf32>
    %add3A_41 = arith.addf %add3A_29, %reshape3A_40 : vector<1x512xf32>
    %get3A_42 = arith.constant 5120 : index
    %get3A_43 = vector.load %arg0[%get3A_42] : memref<49152xf32, #tpu.memory_space<vmem>>, vector<512xf32>
    %reshape3A_44 = vector.shape_cast %get3A_43 : vector<512xf32> to vector<1x512xf32>
    %add3A_45 = arith.addf %add3A_33, %reshape3A_44 : vector<1x512xf32>
    %get3A_46 = arith.constant 5632 : index
    %get3A_47 = vector.load %arg0[%get3A_46] : memref<49152xf32, #tpu.memory_space<vmem>>, vector<512xf32>
    %reshape3A_48 = vector.shape_cast %get3A_47 : vector<512xf32> to vector<1x512xf32>
    %add3A_49 = arith.addf %add3A_37, %reshape3A_48 : vector<1x512xf32>
    %get3A_50 = arith.constant 6144 : index
    %get3A_51 = vector.load %arg0[%get3A_50] : memref<49152xf32, #tpu.memory_space<vmem>>, vector<512xf32>
    %reshape3A_52 = vector.shape_cast %get3A_51 : vector<512xf32> to vector<1x512xf32>
    %add3A_53 = arith.addf %add3A_41, %reshape3A_52 : vector<1x512xf32>
    %get3A_54 = arith.constant 6656 : index
    %get3A_55 = vector.load %arg0[%get3A_54] : memref<49152xf32, #tpu.memory_space<vmem>>, vector<512xf32>
    %reshape3A_56 = vector.shape_cast %get3A_55 : vector<512xf32> to vector<1x512xf32>
    %add3A_57 = arith.addf %add3A_45, %reshape3A_56 : vector<1x512xf32>
    %get3A_58 = arith.constant 7168 : index
    %get3A_59 = vector.load %arg0[%get3A_58] : memref<49152xf32, #tpu.memory_space<vmem>>, vector<512xf32>
    %reshape3A_60 = vector.shape_cast %get3A_59 : vector<512xf32> to vector<1x512xf32>
    %add3A_61 = arith.addf %add3A_49, %reshape3A_60 : vector<1x512xf32>
    %get3A_62 = arith.constant 7680 : index
    %get3A_63 = vector.load %arg0[%get3A_62] : memref<49152xf32, #tpu.memory_space<vmem>>, vector<512xf32>
    %reshape3A_64 = vector.shape_cast %get3A_63 : vector<512xf32> to vector<1x512xf32>
    %add3A_65 = arith.addf %add3A_53, %reshape3A_64 : vector<1x512xf32>
    %get3A_66 = arith.constant 8192 : index
    %get3A_67 = vector.load %arg0[%get3A_66] : memref<49152xf32, #tpu.memory_space<vmem>>, vector<512xf32>
    %reshape3A_68 = vector.shape_cast %get3A_67 : vector<512xf32> to vector<1x512xf32>
    %add3A_69 = arith.addf %add3A_57, %reshape3A_68 : vector<1x512xf32>
    %get3A_70 = arith.constant 8704 : index
    %get3A_71 = vector.load %arg0[%get3A_70] : memref<49152xf32, #tpu.memory_space<vmem>>, vector<512xf32>
    %reshape3A_72 = vector.shape_cast %get3A_71 : vector<512xf32> to vector<1x512xf32>
    %add3A_73 = arith.addf %add3A_61, %reshape3A_72 : vector<1x512xf32>
    %get3A_74 = arith.constant 9216 : index
    %get3A_75 = vector.load %arg0[%get3A_74] : memref<49152xf32, #tpu.memory_space<vmem>>, vector<512xf32>
    %reshape3A_76 = vector.shape_cast %get3A_75 : vector<512xf32> to vector<1x512xf32>
    %add3A_77 = arith.addf %add3A_65, %reshape3A_76 : vector<1x512xf32>
    %get3A_78 = arith.constant 9728 : index
    %get3A_79 = vector.load %arg0[%get3A_78] : memref<49152xf32, #tpu.memory_space<vmem>>, vector<512xf32>
    %reshape3A_80 = vector.shape_cast %get3A_79 : vector<512xf32> to vector<1x512xf32>
    %add3A_81 = arith.addf %add3A_69, %reshape3A_80 : vector<1x512xf32>
    %get3A_82 = arith.constant 10240 : index
    %get3A_83 = vector.load %arg0[%get3A_82] : memref<49152xf32, #tpu.memory_space<vmem>>, vector<512xf32>
    %reshape3A_84 = vector.shape_cast %get3A_83 : vector<512xf32> to vector<1x512xf32>
    %add3A_85 = arith.addf %add3A_73, %reshape3A_84 : vector<1x512xf32>
    %get3A_86 = arith.constant 10752 : index
    %get3A_87 = vector.load %arg0[%get3A_86] : memref<49152xf32, #tpu.memory_space<vmem>>, vector<512xf32>
    %reshape3A_88 = vector.shape_cast %get3A_87 : vector<512xf32> to vector<1x512xf32>
    %add3A_89 = arith.addf %add3A_77, %reshape3A_88 : vector<1x512xf32>
    %get3A_90 = arith.constant 11264 : index
    %get3A_91 = vector.load %arg0[%get3A_90] : memref<49152xf32, #tpu.memory_space<vmem>>, vector<512xf32>
    %reshape3A_92 = vector.shape_cast %get3A_91 : vector<512xf32> to vector<1x512xf32>
    %add3A_93 = arith.addf %add3A_81, %reshape3A_92 : vector<1x512xf32>
    %get3A_94 = arith.constant 11776 : index
    %get3A_95 = vector.load %arg0[%get3A_94] : memref<49152xf32, #tpu.memory_space<vmem>>, vector<512xf32>
    %reshape3A_96 = vector.shape_cast %get3A_95 : vector<512xf32> to vector<1x512xf32>
    %add3A_97 = arith.addf %add3A_85, %reshape3A_96 : vector<1x512xf32>
    %get3A_98 = arith.constant 12288 : index
    %get3A_99 = vector.load %arg0[%get3A_98] : memref<49152xf32, #tpu.memory_space<vmem>>, vector<512xf32>
    %reshape3A_100 = vector.shape_cast %get3A_99 : vector<512xf32> to vector<1x512xf32>
    %add3A_101 = arith.addf %add3A_89, %reshape3A_100 : vector<1x512xf32>
    %get3A_102 = arith.constant 12800 : index
    %get3A_103 = vector.load %arg0[%get3A_102] : memref<49152xf32, #tpu.memory_space<vmem>>, vector<512xf32>
    %reshape3A_104 = vector.shape_cast %get3A_103 : vector<512xf32> to vector<1x512xf32>
    %add3A_105 = arith.addf %add3A_93, %reshape3A_104 : vector<1x512xf32>
    %get3A_106 = arith.constant 13312 : index
    %get3A_107 = vector.load %arg0[%get3A_106] : memref<49152xf32, #tpu.memory_space<vmem>>, vector<512xf32>
    %reshape3A_108 = vector.shape_cast %get3A_107 : vector<512xf32> to vector<1x512xf32>
    %add3A_109 = arith.addf %add3A_97, %reshape3A_108 : vector<1x512xf32>
    %get3A_110 = arith.constant 13824 : index
    %get3A_111 = vector.load %arg0[%get3A_110] : memref<49152xf32, #tpu.memory_space<vmem>>, vector<512xf32>
    %reshape3A_112 = vector.shape_cast %get3A_111 : vector<512xf32> to vector<1x512xf32>
    %add3A_113 = arith.addf %add3A_101, %reshape3A_112 : vector<1x512xf32>
    %get3A_114 = arith.constant 14336 : index
    %get3A_115 = vector.load %arg0[%get3A_114] : memref<49152xf32, #tpu.memory_space<vmem>>, vector<512xf32>
    %reshape3A_116 = vector.shape_cast %get3A_115 : vector<512xf32> to vector<1x512xf32>
    %add3A_117 = arith.addf %add3A_105, %reshape3A_116 : vector<1x512xf32>
    %get3A_118 = arith.constant 14848 : index
    %get3A_119 = vector.load %arg0[%get3A_118] : memref<49152xf32, #tpu.memory_space<vmem>>, vector<512xf32>
    %reshape3A_120 = vector.shape_cast %get3A_119 : vector<512xf32> to vector<1x512xf32>
    %add3A_121 = arith.addf %add3A_109, %reshape3A_120 : vector<1x512xf32>
    %get3A_122 = arith.constant 15360 : index
    %get3A_123 = vector.load %arg0[%get3A_122] : memref<49152xf32, #tpu.memory_space<vmem>>, vector<512xf32>
    %reshape3A_124 = vector.shape_cast %get3A_123 : vector<512xf32> to vector<1x512xf32>
    %add3A_125 = arith.addf %add3A_113, %reshape3A_124 : vector<1x512xf32>
    %get3A_126 = arith.constant 15872 : index
    %get3A_127 = vector.load %arg0[%get3A_126] : memref<49152xf32, #tpu.memory_space<vmem>>, vector<512xf32>
    %reshape3A_128 = vector.shape_cast %get3A_127 : vector<512xf32> to vector<1x512xf32>
    %add3A_129 = arith.addf %add3A_117, %reshape3A_128 : vector<1x512xf32>
    %get3A_130 = arith.constant 16384 : index
    %get3A_131 = vector.load %arg0[%get3A_130] : memref<49152xf32, #tpu.memory_space<vmem>>, vector<512xf32>
    %reshape3A_132 = vector.shape_cast %get3A_131 : vector<512xf32> to vector<1x512xf32>
    %add3A_133 = arith.addf %add3A_121, %reshape3A_132 : vector<1x512xf32>
    %get3A_134 = arith.constant 16896 : index
    %get3A_135 = vector.load %arg0[%get3A_134] : memref<49152xf32, #tpu.memory_space<vmem>>, vector<512xf32>
    %reshape3A_136 = vector.shape_cast %get3A_135 : vector<512xf32> to vector<1x512xf32>
    %add3A_137 = arith.addf %add3A_125, %reshape3A_136 : vector<1x512xf32>
    %get3A_138 = arith.constant 17408 : index
    %get3A_139 = vector.load %arg0[%get3A_138] : memref<49152xf32, #tpu.memory_space<vmem>>, vector<512xf32>
    %reshape3A_140 = vector.shape_cast %get3A_139 : vector<512xf32> to vector<1x512xf32>
    %add3A_141 = arith.addf %add3A_129, %reshape3A_140 : vector<1x512xf32>
    %get3A_142 = arith.constant 17920 : index
    %get3A_143 = vector.load %arg0[%get3A_142] : memref<49152xf32, #tpu.memory_space<vmem>>, vector<512xf32>
    %reshape3A_144 = vector.shape_cast %get3A_143 : vector<512xf32> to vector<1x512xf32>
    %add3A_145 = arith.addf %add3A_133, %reshape3A_144 : vector<1x512xf32>
    %get3A_146 = arith.constant 18432 : index
    %get3A_147 = vector.load %arg0[%get3A_146] : memref<49152xf32, #tpu.memory_space<vmem>>, vector<512xf32>
    %reshape3A_148 = vector.shape_cast %get3A_147 : vector<512xf32> to vector<1x512xf32>
    %add3A_149 = arith.addf %add3A_137, %reshape3A_148 : vector<1x512xf32>
    %get3A_150 = arith.constant 18944 : index
    %get3A_151 = vector.load %arg0[%get3A_150] : memref<49152xf32, #tpu.memory_space<vmem>>, vector<512xf32>
    %reshape3A_152 = vector.shape_cast %get3A_151 : vector<512xf32> to vector<1x512xf32>
    %add3A_153 = arith.addf %add3A_141, %reshape3A_152 : vector<1x512xf32>
    %get3A_154 = arith.constant 19456 : index
    %get3A_155 = vector.load %arg0[%get3A_154] : memref<49152xf32, #tpu.memory_space<vmem>>, vector<512xf32>
    %reshape3A_156 = vector.shape_cast %get3A_155 : vector<512xf32> to vector<1x512xf32>
    %add3A_157 = arith.addf %add3A_145, %reshape3A_156 : vector<1x512xf32>
    %get3A_158 = arith.constant 19968 : index
    %get3A_159 = vector.load %arg0[%get3A_158] : memref<49152xf32, #tpu.memory_space<vmem>>, vector<512xf32>
    %reshape3A_160 = vector.shape_cast %get3A_159 : vector<512xf32> to vector<1x512xf32>
    %add3A_161 = arith.addf %add3A_149, %reshape3A_160 : vector<1x512xf32>
    %get3A_162 = arith.constant 20480 : index
    %get3A_163 = vector.load %arg0[%get3A_162] : memref<49152xf32, #tpu.memory_space<vmem>>, vector<512xf32>
    %reshape3A_164 = vector.shape_cast %get3A_163 : vector<512xf32> to vector<1x512xf32>
    %add3A_165 = arith.addf %add3A_153, %reshape3A_164 : vector<1x512xf32>
    %get3A_166 = arith.constant 20992 : index
    %get3A_167 = vector.load %arg0[%get3A_166] : memref<49152xf32, #tpu.memory_space<vmem>>, vector<512xf32>
    %reshape3A_168 = vector.shape_cast %get3A_167 : vector<512xf32> to vector<1x512xf32>
    %add3A_169 = arith.addf %add3A_157, %reshape3A_168 : vector<1x512xf32>
    %get3A_170 = arith.constant 21504 : index
    %get3A_171 = vector.load %arg0[%get3A_170] : memref<49152xf32, #tpu.memory_space<vmem>>, vector<512xf32>
    %reshape3A_172 = vector.shape_cast %get3A_171 : vector<512xf32> to vector<1x512xf32>
    %add3A_173 = arith.addf %add3A_161, %reshape3A_172 : vector<1x512xf32>
    %get3A_174 = arith.constant 22016 : index
    %get3A_175 = vector.load %arg0[%get3A_174] : memref<49152xf32, #tpu.memory_space<vmem>>, vector<512xf32>
    %reshape3A_176 = vector.shape_cast %get3A_175 : vector<512xf32> to vector<1x512xf32>
    %add3A_177 = arith.addf %add3A_165, %reshape3A_176 : vector<1x512xf32>
    %get3A_178 = arith.constant 22528 : index
    %get3A_179 = vector.load %arg0[%get3A_178] : memref<49152xf32, #tpu.memory_space<vmem>>, vector<512xf32>
    %reshape3A_180 = vector.shape_cast %get3A_179 : vector<512xf32> to vector<1x512xf32>
    %add3A_181 = arith.addf %add3A_169, %reshape3A_180 : vector<1x512xf32>
    %get3A_182 = arith.constant 23040 : index
    %get3A_183 = vector.load %arg0[%get3A_182] : memref<49152xf32, #tpu.memory_space<vmem>>, vector<512xf32>
    %reshape3A_184 = vector.shape_cast %get3A_183 : vector<512xf32> to vector<1x512xf32>
    %add3A_185 = arith.addf %add3A_173, %reshape3A_184 : vector<1x512xf32>
    %get3A_186 = arith.constant 23552 : index
    %get3A_187 = vector.load %arg0[%get3A_186] : memref<49152xf32, #tpu.memory_space<vmem>>, vector<512xf32>
    %reshape3A_188 = vector.shape_cast %get3A_187 : vector<512xf32> to vector<1x512xf32>
    %add3A_189 = arith.addf %add3A_177, %reshape3A_188 : vector<1x512xf32>
    %get3A_190 = arith.constant 24064 : index
    %get3A_191 = vector.load %arg0[%get3A_190] : memref<49152xf32, #tpu.memory_space<vmem>>, vector<512xf32>
    %reshape3A_192 = vector.shape_cast %get3A_191 : vector<512xf32> to vector<1x512xf32>
    %add3A_193 = arith.addf %add3A_181, %reshape3A_192 : vector<1x512xf32>
    %get3A_194 = arith.constant 24576 : index
    %get3A_195 = vector.load %arg0[%get3A_194] : memref<49152xf32, #tpu.memory_space<vmem>>, vector<512xf32>
    %reshape3A_196 = vector.shape_cast %get3A_195 : vector<512xf32> to vector<1x512xf32>
    %add3A_197 = arith.addf %add3A_185, %reshape3A_196 : vector<1x512xf32>
    %get3A_198 = arith.constant 25088 : index
    %get3A_199 = vector.load %arg0[%get3A_198] : memref<49152xf32, #tpu.memory_space<vmem>>, vector<512xf32>
    %reshape3A_200 = vector.shape_cast %get3A_199 : vector<512xf32> to vector<1x512xf32>
    %add3A_201 = arith.addf %add3A_189, %reshape3A_200 : vector<1x512xf32>
    %get3A_202 = arith.constant 25600 : index
    %get3A_203 = vector.load %arg0[%get3A_202] : memref<49152xf32, #tpu.memory_space<vmem>>, vector<512xf32>
    %reshape3A_204 = vector.shape_cast %get3A_203 : vector<512xf32> to vector<1x512xf32>
    %add3A_205 = arith.addf %add3A_193, %reshape3A_204 : vector<1x512xf32>
    %get3A_206 = arith.constant 26112 : index
    %get3A_207 = vector.load %arg0[%get3A_206] : memref<49152xf32, #tpu.memory_space<vmem>>, vector<512xf32>
    %reshape3A_208 = vector.shape_cast %get3A_207 : vector<512xf32> to vector<1x512xf32>
    %add3A_209 = arith.addf %add3A_197, %reshape3A_208 : vector<1x512xf32>
    %get3A_210 = arith.constant 26624 : index
    %get3A_211 = vector.load %arg0[%get3A_210] : memref<49152xf32, #tpu.memory_space<vmem>>, vector<512xf32>
    %reshape3A_212 = vector.shape_cast %get3A_211 : vector<512xf32> to vector<1x512xf32>
    %add3A_213 = arith.addf %add3A_201, %reshape3A_212 : vector<1x512xf32>
    %get3A_214 = arith.constant 27136 : index
    %get3A_215 = vector.load %arg0[%get3A_214] : memref<49152xf32, #tpu.memory_space<vmem>>, vector<512xf32>
    %reshape3A_216 = vector.shape_cast %get3A_215 : vector<512xf32> to vector<1x512xf32>
    %add3A_217 = arith.addf %add3A_205, %reshape3A_216 : vector<1x512xf32>
    %get3A_218 = arith.constant 27648 : index
    %get3A_219 = vector.load %arg0[%get3A_218] : memref<49152xf32, #tpu.memory_space<vmem>>, vector<512xf32>
    %reshape3A_220 = vector.shape_cast %get3A_219 : vector<512xf32> to vector<1x512xf32>
    %add3A_221 = arith.addf %add3A_209, %reshape3A_220 : vector<1x512xf32>
    %get3A_222 = arith.constant 28160 : index
    %get3A_223 = vector.load %arg0[%get3A_222] : memref<49152xf32, #tpu.memory_space<vmem>>, vector<512xf32>
    %reshape3A_224 = vector.shape_cast %get3A_223 : vector<512xf32> to vector<1x512xf32>
    %add3A_225 = arith.addf %add3A_213, %reshape3A_224 : vector<1x512xf32>
    %get3A_226 = arith.constant 28672 : index
    %get3A_227 = vector.load %arg0[%get3A_226] : memref<49152xf32, #tpu.memory_space<vmem>>, vector<512xf32>
    %reshape3A_228 = vector.shape_cast %get3A_227 : vector<512xf32> to vector<1x512xf32>
    %add3A_229 = arith.addf %add3A_217, %reshape3A_228 : vector<1x512xf32>
    %get3A_230 = arith.constant 29184 : index
    %get3A_231 = vector.load %arg0[%get3A_230] : memref<49152xf32, #tpu.memory_space<vmem>>, vector<512xf32>
    %reshape3A_232 = vector.shape_cast %get3A_231 : vector<512xf32> to vector<1x512xf32>
    %add3A_233 = arith.addf %add3A_221, %reshape3A_232 : vector<1x512xf32>
    %get3A_234 = arith.constant 29696 : index
    %get3A_235 = vector.load %arg0[%get3A_234] : memref<49152xf32, #tpu.memory_space<vmem>>, vector<512xf32>
    %reshape3A_236 = vector.shape_cast %get3A_235 : vector<512xf32> to vector<1x512xf32>
    %add3A_237 = arith.addf %add3A_225, %reshape3A_236 : vector<1x512xf32>
    %get3A_238 = arith.constant 30208 : index
    %get3A_239 = vector.load %arg0[%get3A_238] : memref<49152xf32, #tpu.memory_space<vmem>>, vector<512xf32>
    %reshape3A_240 = vector.shape_cast %get3A_239 : vector<512xf32> to vector<1x512xf32>
    %add3A_241 = arith.addf %add3A_229, %reshape3A_240 : vector<1x512xf32>
    %get3A_242 = arith.constant 30720 : index
    %get3A_243 = vector.load %arg0[%get3A_242] : memref<49152xf32, #tpu.memory_space<vmem>>, vector<512xf32>
    %reshape3A_244 = vector.shape_cast %get3A_243 : vector<512xf32> to vector<1x512xf32>
    %add3A_245 = arith.addf %add3A_233, %reshape3A_244 : vector<1x512xf32>
    %get3A_246 = arith.constant 31232 : index
    %get3A_247 = vector.load %arg0[%get3A_246] : memref<49152xf32, #tpu.memory_space<vmem>>, vector<512xf32>
    %reshape3A_248 = vector.shape_cast %get3A_247 : vector<512xf32> to vector<1x512xf32>
    %add3A_249 = arith.addf %add3A_237, %reshape3A_248 : vector<1x512xf32>
    %get3A_250 = arith.constant 31744 : index
    %get3A_251 = vector.load %arg0[%get3A_250] : memref<49152xf32, #tpu.memory_space<vmem>>, vector<512xf32>
    %reshape3A_252 = vector.shape_cast %get3A_251 : vector<512xf32> to vector<1x512xf32>
    %add3A_253 = arith.addf %add3A_241, %reshape3A_252 : vector<1x512xf32>
    %get3A_254 = arith.constant 32256 : index
    %get3A_255 = vector.load %arg0[%get3A_254] : memref<49152xf32, #tpu.memory_space<vmem>>, vector<512xf32>
    %reshape3A_256 = vector.shape_cast %get3A_255 : vector<512xf32> to vector<1x512xf32>
    %add3A_257 = arith.addf %add3A_245, %reshape3A_256 : vector<1x512xf32>
    %get3A_258 = arith.constant 32768 : index
    %get3A_259 = vector.load %arg0[%get3A_258] : memref<49152xf32, #tpu.memory_space<vmem>>, vector<512xf32>
    %reshape3A_260 = vector.shape_cast %get3A_259 : vector<512xf32> to vector<1x512xf32>
    %add3A_261 = arith.addf %add3A_249, %reshape3A_260 : vector<1x512xf32>
    %get3A_262 = arith.constant 33280 : index
    %get3A_263 = vector.load %arg0[%get3A_262] : memref<49152xf32, #tpu.memory_space<vmem>>, vector<512xf32>
    %reshape3A_264 = vector.shape_cast %get3A_263 : vector<512xf32> to vector<1x512xf32>
    %add3A_265 = arith.addf %add3A_253, %reshape3A_264 : vector<1x512xf32>
    %get3A_266 = arith.constant 33792 : index
    %get3A_267 = vector.load %arg0[%get3A_266] : memref<49152xf32, #tpu.memory_space<vmem>>, vector<512xf32>
    %reshape3A_268 = vector.shape_cast %get3A_267 : vector<512xf32> to vector<1x512xf32>
    %add3A_269 = arith.addf %add3A_257, %reshape3A_268 : vector<1x512xf32>
    %get3A_270 = arith.constant 34304 : index
    %get3A_271 = vector.load %arg0[%get3A_270] : memref<49152xf32, #tpu.memory_space<vmem>>, vector<512xf32>
    %reshape3A_272 = vector.shape_cast %get3A_271 : vector<512xf32> to vector<1x512xf32>
    %add3A_273 = arith.addf %add3A_261, %reshape3A_272 : vector<1x512xf32>
    %get3A_274 = arith.constant 34816 : index
    %get3A_275 = vector.load %arg0[%get3A_274] : memref<49152xf32, #tpu.memory_space<vmem>>, vector<512xf32>
    %reshape3A_276 = vector.shape_cast %get3A_275 : vector<512xf32> to vector<1x512xf32>
    %add3A_277 = arith.addf %add3A_265, %reshape3A_276 : vector<1x512xf32>
    %get3A_278 = arith.constant 35328 : index
    %get3A_279 = vector.load %arg0[%get3A_278] : memref<49152xf32, #tpu.memory_space<vmem>>, vector<512xf32>
    %reshape3A_280 = vector.shape_cast %get3A_279 : vector<512xf32> to vector<1x512xf32>
    %add3A_281 = arith.addf %add3A_269, %reshape3A_280 : vector<1x512xf32>
    %get3A_282 = arith.constant 35840 : index
    %get3A_283 = vector.load %arg0[%get3A_282] : memref<49152xf32, #tpu.memory_space<vmem>>, vector<512xf32>
    %reshape3A_284 = vector.shape_cast %get3A_283 : vector<512xf32> to vector<1x512xf32>
    %add3A_285 = arith.addf %add3A_273, %reshape3A_284 : vector<1x512xf32>
    %get3A_286 = arith.constant 36352 : index
    %get3A_287 = vector.load %arg0[%get3A_286] : memref<49152xf32, #tpu.memory_space<vmem>>, vector<512xf32>
    %reshape3A_288 = vector.shape_cast %get3A_287 : vector<512xf32> to vector<1x512xf32>
    %add3A_289 = arith.addf %add3A_277, %reshape3A_288 : vector<1x512xf32>
    %get3A_290 = arith.constant 36864 : index
    %get3A_291 = vector.load %arg0[%get3A_290] : memref<49152xf32, #tpu.memory_space<vmem>>, vector<512xf32>
    %reshape3A_292 = vector.shape_cast %get3A_291 : vector<512xf32> to vector<1x512xf32>
    %add3A_293 = arith.addf %add3A_281, %reshape3A_292 : vector<1x512xf32>
    %get3A_294 = arith.constant 37376 : index
    %get3A_295 = vector.load %arg0[%get3A_294] : memref<49152xf32, #tpu.memory_space<vmem>>, vector<512xf32>
    %reshape3A_296 = vector.shape_cast %get3A_295 : vector<512xf32> to vector<1x512xf32>
    %add3A_297 = arith.addf %add3A_285, %reshape3A_296 : vector<1x512xf32>
    %get3A_298 = arith.constant 37888 : index
    %get3A_299 = vector.load %arg0[%get3A_298] : memref<49152xf32, #tpu.memory_space<vmem>>, vector<512xf32>
    %reshape3A_300 = vector.shape_cast %get3A_299 : vector<512xf32> to vector<1x512xf32>
    %add3A_301 = arith.addf %add3A_289, %reshape3A_300 : vector<1x512xf32>
    %get3A_302 = arith.constant 38400 : index
    %get3A_303 = vector.load %arg0[%get3A_302] : memref<49152xf32, #tpu.memory_space<vmem>>, vector<512xf32>
    %reshape3A_304 = vector.shape_cast %get3A_303 : vector<512xf32> to vector<1x512xf32>
    %add3A_305 = arith.addf %add3A_293, %reshape3A_304 : vector<1x512xf32>
    %get3A_306 = arith.constant 38912 : index
    %get3A_307 = vector.load %arg0[%get3A_306] : memref<49152xf32, #tpu.memory_space<vmem>>, vector<512xf32>
    %reshape3A_308 = vector.shape_cast %get3A_307 : vector<512xf32> to vector<1x512xf32>
    %add3A_309 = arith.addf %add3A_297, %reshape3A_308 : vector<1x512xf32>
    %get3A_310 = arith.constant 39424 : index
    %get3A_311 = vector.load %arg0[%get3A_310] : memref<49152xf32, #tpu.memory_space<vmem>>, vector<512xf32>
    %reshape3A_312 = vector.shape_cast %get3A_311 : vector<512xf32> to vector<1x512xf32>
    %add3A_313 = arith.addf %add3A_301, %reshape3A_312 : vector<1x512xf32>
    %get3A_314 = arith.constant 39936 : index
    %get3A_315 = vector.load %arg0[%get3A_314] : memref<49152xf32, #tpu.memory_space<vmem>>, vector<512xf32>
    %reshape3A_316 = vector.shape_cast %get3A_315 : vector<512xf32> to vector<1x512xf32>
    %add3A_317 = arith.addf %add3A_305, %reshape3A_316 : vector<1x512xf32>
    %get3A_318 = arith.constant 40448 : index
    %get3A_319 = vector.load %arg0[%get3A_318] : memref<49152xf32, #tpu.memory_space<vmem>>, vector<512xf32>
    %reshape3A_320 = vector.shape_cast %get3A_319 : vector<512xf32> to vector<1x512xf32>
    %add3A_321 = arith.addf %add3A_309, %reshape3A_320 : vector<1x512xf32>
    %get3A_322 = arith.constant 40960 : index
    %get3A_323 = vector.load %arg0[%get3A_322] : memref<49152xf32, #tpu.memory_space<vmem>>, vector<512xf32>
    %reshape3A_324 = vector.shape_cast %get3A_323 : vector<512xf32> to vector<1x512xf32>
    %add3A_325 = arith.addf %add3A_313, %reshape3A_324 : vector<1x512xf32>
    %get3A_326 = arith.constant 41472 : index
    %get3A_327 = vector.load %arg0[%get3A_326] : memref<49152xf32, #tpu.memory_space<vmem>>, vector<512xf32>
    %reshape3A_328 = vector.shape_cast %get3A_327 : vector<512xf32> to vector<1x512xf32>
    %add3A_329 = arith.addf %add3A_317, %reshape3A_328 : vector<1x512xf32>
    %get3A_330 = arith.constant 41984 : index
    %get3A_331 = vector.load %arg0[%get3A_330] : memref<49152xf32, #tpu.memory_space<vmem>>, vector<512xf32>
    %reshape3A_332 = vector.shape_cast %get3A_331 : vector<512xf32> to vector<1x512xf32>
    %add3A_333 = arith.addf %add3A_321, %reshape3A_332 : vector<1x512xf32>
    %get3A_334 = arith.constant 42496 : index
    %get3A_335 = vector.load %arg0[%get3A_334] : memref<49152xf32, #tpu.memory_space<vmem>>, vector<512xf32>
    %reshape3A_336 = vector.shape_cast %get3A_335 : vector<512xf32> to vector<1x512xf32>
    %add3A_337 = arith.addf %add3A_325, %reshape3A_336 : vector<1x512xf32>
    %get3A_338 = arith.constant 43008 : index
    %get3A_339 = vector.load %arg0[%get3A_338] : memref<49152xf32, #tpu.memory_space<vmem>>, vector<512xf32>
    %reshape3A_340 = vector.shape_cast %get3A_339 : vector<512xf32> to vector<1x512xf32>
    %add3A_341 = arith.addf %add3A_329, %reshape3A_340 : vector<1x512xf32>
    %get3A_342 = arith.constant 43520 : index
    %get3A_343 = vector.load %arg0[%get3A_342] : memref<49152xf32, #tpu.memory_space<vmem>>, vector<512xf32>
    %reshape3A_344 = vector.shape_cast %get3A_343 : vector<512xf32> to vector<1x512xf32>
    %add3A_345 = arith.addf %add3A_333, %reshape3A_344 : vector<1x512xf32>
    %get3A_346 = arith.constant 44032 : index
    %get3A_347 = vector.load %arg0[%get3A_346] : memref<49152xf32, #tpu.memory_space<vmem>>, vector<512xf32>
    %reshape3A_348 = vector.shape_cast %get3A_347 : vector<512xf32> to vector<1x512xf32>
    %add3A_349 = arith.addf %add3A_337, %reshape3A_348 : vector<1x512xf32>
    %get3A_350 = arith.constant 44544 : index
    %get3A_351 = vector.load %arg0[%get3A_350] : memref<49152xf32, #tpu.memory_space<vmem>>, vector<512xf32>
    %reshape3A_352 = vector.shape_cast %get3A_351 : vector<512xf32> to vector<1x512xf32>
    %add3A_353 = arith.addf %add3A_341, %reshape3A_352 : vector<1x512xf32>
    %get3A_354 = arith.constant 45056 : index
    %get3A_355 = vector.load %arg0[%get3A_354] : memref<49152xf32, #tpu.memory_space<vmem>>, vector<512xf32>
    %reshape3A_356 = vector.shape_cast %get3A_355 : vector<512xf32> to vector<1x512xf32>
    %add3A_357 = arith.addf %add3A_345, %reshape3A_356 : vector<1x512xf32>
    %get3A_358 = arith.constant 45568 : index
    %get3A_359 = vector.load %arg0[%get3A_358] : memref<49152xf32, #tpu.memory_space<vmem>>, vector<512xf32>
    %reshape3A_360 = vector.shape_cast %get3A_359 : vector<512xf32> to vector<1x512xf32>
    %add3A_361 = arith.addf %add3A_349, %reshape3A_360 : vector<1x512xf32>
    %get3A_362 = arith.constant 46080 : index
    %get3A_363 = vector.load %arg0[%get3A_362] : memref<49152xf32, #tpu.memory_space<vmem>>, vector<512xf32>
    %reshape3A_364 = vector.shape_cast %get3A_363 : vector<512xf32> to vector<1x512xf32>
    %add3A_365 = arith.addf %add3A_353, %reshape3A_364 : vector<1x512xf32>
    %get3A_366 = arith.constant 46592 : index
    %get3A_367 = vector.load %arg0[%get3A_366] : memref<49152xf32, #tpu.memory_space<vmem>>, vector<512xf32>
    %reshape3A_368 = vector.shape_cast %get3A_367 : vector<512xf32> to vector<1x512xf32>
    %add3A_369 = arith.addf %add3A_357, %reshape3A_368 : vector<1x512xf32>
    %get3A_370 = arith.constant 47104 : index
    %get3A_371 = vector.load %arg0[%get3A_370] : memref<49152xf32, #tpu.memory_space<vmem>>, vector<512xf32>
    %reshape3A_372 = vector.shape_cast %get3A_371 : vector<512xf32> to vector<1x512xf32>
    %add3A_373 = arith.addf %add3A_361, %reshape3A_372 : vector<1x512xf32>
    %get3A_374 = arith.constant 47616 : index
    %get3A_375 = vector.load %arg0[%get3A_374] : memref<49152xf32, #tpu.memory_space<vmem>>, vector<512xf32>
    %reshape3A_376 = vector.shape_cast %get3A_375 : vector<512xf32> to vector<1x512xf32>
    %add3A_377 = arith.addf %add3A_365, %reshape3A_376 : vector<1x512xf32>
    %get3A_378 = arith.constant 48128 : index
    %get3A_379 = vector.load %arg0[%get3A_378] : memref<49152xf32, #tpu.memory_space<vmem>>, vector<512xf32>
    %reshape3A_380 = vector.shape_cast %get3A_379 : vector<512xf32> to vector<1x512xf32>
    %add3A_381 = arith.addf %add3A_369, %reshape3A_380 : vector<1x512xf32>
    %get3A_382 = arith.constant 48640 : index
    %get3A_383 = vector.load %arg0[%get3A_382] : memref<49152xf32, #tpu.memory_space<vmem>>, vector<512xf32>
    %reshape3A_384 = vector.shape_cast %get3A_383 : vector<512xf32> to vector<1x512xf32>
    %add3A_385 = arith.addf %add3A_373, %reshape3A_384 : vector<1x512xf32>
    %iota3A = tpu.iota {dimensions = array<i32: 1>} : vector<1x512xi32>
    %roll3A = arith.constant 511 : i32
    %roll3A_386 = tpu.dynamic_rotate %add3A_377 by %roll3A dim 1 : vector<1x512xf32>, i32 -> vector<1x512xf32>
    %lt3A = arith.constant 511 : i32
    %lt3A_387 = vector.broadcast %lt3A : i32 to vector<1x512xi32>
    %lt3A_388 = arith.cmpi slt, %iota3A, %lt3A_387 : vector<1x512xi32>
    %jit3A = arith.constant 0.000000e+00 : f32
    %broadcast_in_dim3A_389 = vector.broadcast %jit3A : f32 to vector<1x512xf32>
    %select_n3A = arith.select %lt3A_388, %roll3A_386, %broadcast_in_dim3A_389 : vector<1x512xi1>, vector<1x512xf32>
    %add3A_390 = arith.addf %add3A_377, %select_n3A : vector<1x512xf32>
    %roll3A_391 = arith.constant 510 : i32
    %roll3A_392 = tpu.dynamic_rotate %add3A_390 by %roll3A_391 dim 1 : vector<1x512xf32>, i32 -> vector<1x512xf32>
    %lt3A_393 = arith.constant 510 : i32
    %lt3A_394 = vector.broadcast %lt3A_393 : i32 to vector<1x512xi32>
    %lt3A_395 = arith.cmpi slt, %iota3A, %lt3A_394 : vector<1x512xi32>
    %jit3A_396 = arith.constant 0.000000e+00 : f32
    %broadcast_in_dim3A_397 = vector.broadcast %jit3A_396 : f32 to vector<1x512xf32>
    %select_n3A_398 = arith.select %lt3A_395, %roll3A_392, %broadcast_in_dim3A_397 : vector<1x512xi1>, vector<1x512xf32>
    %add3A_399 = arith.addf %add3A_390, %select_n3A_398 : vector<1x512xf32>
    %roll3A_400 = arith.constant 508 : i32
    %roll3A_401 = tpu.dynamic_rotate %add3A_399 by %roll3A_400 dim 1 : vector<1x512xf32>, i32 -> vector<1x512xf32>
    %lt3A_402 = arith.constant 508 : i32
    %lt3A_403 = vector.broadcast %lt3A_402 : i32 to vector<1x512xi32>
    %lt3A_404 = arith.cmpi slt, %iota3A, %lt3A_403 : vector<1x512xi32>
    %jit3A_405 = arith.constant 0.000000e+00 : f32
    %broadcast_in_dim3A_406 = vector.broadcast %jit3A_405 : f32 to vector<1x512xf32>
    %select_n3A_407 = arith.select %lt3A_404, %roll3A_401, %broadcast_in_dim3A_406 : vector<1x512xi1>, vector<1x512xf32>
    %add3A_408 = arith.addf %add3A_399, %select_n3A_407 : vector<1x512xf32>
    %roll3A_409 = arith.constant 504 : i32
    %roll3A_410 = tpu.dynamic_rotate %add3A_408 by %roll3A_409 dim 1 : vector<1x512xf32>, i32 -> vector<1x512xf32>
    %lt3A_411 = arith.constant 504 : i32
    %lt3A_412 = vector.broadcast %lt3A_411 : i32 to vector<1x512xi32>
    %lt3A_413 = arith.cmpi slt, %iota3A, %lt3A_412 : vector<1x512xi32>
    %jit3A_414 = arith.constant 0.000000e+00 : f32
    %broadcast_in_dim3A_415 = vector.broadcast %jit3A_414 : f32 to vector<1x512xf32>
    %select_n3A_416 = arith.select %lt3A_413, %roll3A_410, %broadcast_in_dim3A_415 : vector<1x512xi1>, vector<1x512xf32>
    %add3A_417 = arith.addf %add3A_408, %select_n3A_416 : vector<1x512xf32>
    %roll3A_418 = arith.constant 496 : i32
    %roll3A_419 = tpu.dynamic_rotate %add3A_417 by %roll3A_418 dim 1 : vector<1x512xf32>, i32 -> vector<1x512xf32>
    %lt3A_420 = arith.constant 496 : i32
    %lt3A_421 = vector.broadcast %lt3A_420 : i32 to vector<1x512xi32>
    %lt3A_422 = arith.cmpi slt, %iota3A, %lt3A_421 : vector<1x512xi32>
    %jit3A_423 = arith.constant 0.000000e+00 : f32
    %broadcast_in_dim3A_424 = vector.broadcast %jit3A_423 : f32 to vector<1x512xf32>
    %select_n3A_425 = arith.select %lt3A_422, %roll3A_419, %broadcast_in_dim3A_424 : vector<1x512xi1>, vector<1x512xf32>
    %add3A_426 = arith.addf %add3A_417, %select_n3A_425 : vector<1x512xf32>
    %roll3A_427 = arith.constant 480 : i32
    %roll3A_428 = tpu.dynamic_rotate %add3A_426 by %roll3A_427 dim 1 : vector<1x512xf32>, i32 -> vector<1x512xf32>
    %lt3A_429 = arith.constant 480 : i32
    %lt3A_430 = vector.broadcast %lt3A_429 : i32 to vector<1x512xi32>
    %lt3A_431 = arith.cmpi slt, %iota3A, %lt3A_430 : vector<1x512xi32>
    %jit3A_432 = arith.constant 0.000000e+00 : f32
    %broadcast_in_dim3A_433 = vector.broadcast %jit3A_432 : f32 to vector<1x512xf32>
    %select_n3A_434 = arith.select %lt3A_431, %roll3A_428, %broadcast_in_dim3A_433 : vector<1x512xi1>, vector<1x512xf32>
    %add3A_435 = arith.addf %add3A_426, %select_n3A_434 : vector<1x512xf32>
    %roll3A_436 = arith.constant 448 : i32
    %roll3A_437 = tpu.dynamic_rotate %add3A_435 by %roll3A_436 dim 1 : vector<1x512xf32>, i32 -> vector<1x512xf32>
    %lt3A_438 = arith.constant 448 : i32
    %lt3A_439 = vector.broadcast %lt3A_438 : i32 to vector<1x512xi32>
    %lt3A_440 = arith.cmpi slt, %iota3A, %lt3A_439 : vector<1x512xi32>
    %jit3A_441 = arith.constant 0.000000e+00 : f32
    %broadcast_in_dim3A_442 = vector.broadcast %jit3A_441 : f32 to vector<1x512xf32>
    %select_n3A_443 = arith.select %lt3A_440, %roll3A_437, %broadcast_in_dim3A_442 : vector<1x512xi1>, vector<1x512xf32>
    %add3A_444 = arith.addf %add3A_435, %select_n3A_443 : vector<1x512xf32>
    %roll3A_445 = arith.constant 384 : i32
    %roll3A_446 = tpu.dynamic_rotate %add3A_444 by %roll3A_445 dim 1 : vector<1x512xf32>, i32 -> vector<1x512xf32>
    %lt3A_447 = arith.constant 384 : i32
    %lt3A_448 = vector.broadcast %lt3A_447 : i32 to vector<1x512xi32>
    %lt3A_449 = arith.cmpi slt, %iota3A, %lt3A_448 : vector<1x512xi32>
    %jit3A_450 = arith.constant 0.000000e+00 : f32
    %broadcast_in_dim3A_451 = vector.broadcast %jit3A_450 : f32 to vector<1x512xf32>
    %select_n3A_452 = arith.select %lt3A_449, %roll3A_446, %broadcast_in_dim3A_451 : vector<1x512xi1>, vector<1x512xf32>
    %add3A_453 = arith.addf %add3A_444, %select_n3A_452 : vector<1x512xf32>
    %roll3A_454 = arith.constant 256 : i32
    %roll3A_455 = tpu.dynamic_rotate %add3A_453 by %roll3A_454 dim 1 : vector<1x512xf32>, i32 -> vector<1x512xf32>
    %lt3A_456 = arith.constant 256 : i32
    %lt3A_457 = vector.broadcast %lt3A_456 : i32 to vector<1x512xi32>
    %lt3A_458 = arith.cmpi slt, %iota3A, %lt3A_457 : vector<1x512xi32>
    %jit3A_459 = arith.constant 0.000000e+00 : f32
    %broadcast_in_dim3A_460 = vector.broadcast %jit3A_459 : f32 to vector<1x512xf32>
    %select_n3A_461 = arith.select %lt3A_458, %roll3A_455, %broadcast_in_dim3A_460 : vector<1x512xi1>, vector<1x512xf32>
    %add3A_462 = arith.addf %add3A_453, %select_n3A_461 : vector<1x512xf32>
    %max3A = arith.constant 9.99999996E-13 : f32
    %max3A_463 = vector.broadcast %max3A : f32 to vector<1x512xf32>
    %max3A_464 = arith.maximumf %add3A_462, %max3A_463 : vector<1x512xf32>
    %log3A = math.log %max3A_464 : vector<1x512xf32>
    %mul3A = arith.mulf %add3A_385, %log3A : vector<1x512xf32>
    %sub3A = arith.subf %add3A_381, %mul3A : vector<1x512xf32>
    %gt3A = arith.constant 0.000000e+00 : f32
    %gt3A_465 = vector.broadcast %gt3A : f32 to vector<1x512xf32>
    %gt3A_466 = arith.cmpf ogt, %add3A_385, %gt3A_465 : vector<1x512xf32>
    %jit3A_467 = arith.constant 0.000000e+00 : f32
    %broadcast_in_dim3A_468 = vector.broadcast %jit3A_467 : f32 to vector<1x512xf32>
    %select_n3A_469 = arith.select %gt3A_466, %sub3A, %broadcast_in_dim3A_468 : vector<1x512xi1>, vector<1x512xf32>
    %reduce_sum3A = vector.shape_cast %select_n3A_469 : vector<1x512xf32> to vector<1x1x512xf32>
    %reduce_sum3A_470 = arith.constant dense<0.000000e+00> : vector<1xf32>
    %reduce_sum3A_471 = vector.multi_reduction <add>, %reduce_sum3A, %reduce_sum3A_470 [1, 2] : vector<1x1x512xf32> to vector<1xf32>
    %reduce_sum3A_472 = vector.shape_cast %reduce_sum3A_471 : vector<1xf32> to vector<1x1x1xf32>
    %reduce_sum3A_473 = vector.extract %reduce_sum3A_472[0, 0, 0] : f32 from vector<1x1x1xf32>
    %reduce_sum3A_474 = vector.shape_cast %add3A_385 : vector<1x512xf32> to vector<1x1x512xf32>
    %reduce_sum3A_475 = arith.constant dense<0.000000e+00> : vector<1xf32>
    %reduce_sum3A_476 = vector.multi_reduction <add>, %reduce_sum3A_474, %reduce_sum3A_475 [1, 2] : vector<1x1x512xf32> to vector<1xf32>
    %reduce_sum3A_477 = vector.shape_cast %reduce_sum3A_476 : vector<1xf32> to vector<1x1x1xf32>
    %reduce_sum3A_478 = vector.extract %reduce_sum3A_477[0, 0, 0] : f32 from vector<1x1x1xf32>
    %max3A_479 = arith.constant 1.000000e+00 : f32
    %max3A_480 = arith.maximumf %reduce_sum3A_478, %max3A_479 : f32
    %neg3A = arith.constant 0.000000e+00 : f32
    %neg3A_481 = arith.subf %neg3A, %reduce_sum3A_473 : f32
    %div3A = arith.divf %neg3A_481, %max3A_480 : f32
    %broadcast_in_dim3A_482 = vector.broadcast %div3A : f32 to vector<1x1xf32>
    %swap3A = arith.constant 0 : index
    %swap3A_483 = arith.constant 0 : index
    %swap3A_484 = vector.load %arg1[%swap3A, %swap3A_483] : memref<1x1xf32, #tpu.memory_space<vmem>>, vector<1x1xf32>
    tpu.vector_store %arg1[%swap3A, %swap3A_483], %broadcast_in_dim3A_482 {strides = array<i32>} : memref<1x1xf32, #tpu.memory_space<vmem>>, vector<1x1xf32>,
    return
  }
}

</mosaic_0001>

<sc_bundles>
// kernel: kernel.4.cloned.1.call-start
scs
__scs_entry_jumppad:
0x0: {  	(pc) =	sbr.rel $0x88, $3  }
0x1: {  	(tag) =	ssettag $0x0;
	lr =	simm.s32 $0x1  }
0x2: {  	[smem:$0x3F9E] =	sst lr;
	_ =	strace $0xD0000000  }
0x3: {  	_ = 	snop  }
0x4: {  	_ = 	snop  }
0x5: {  	_ = 	snop  }
0x6: {  	_ = 	snop  }
0x7: {  	_ = 	snop  }
__scs_overlays_trampoline_lowered:
0x8: {  	[smem:$0x3FAD] =	sst s0  }
0x9: {  	[smem:$0x3FAE] =	sst s1  }
0xa: {  	[smem:$0x3FAF] =	sst s2  }
0xb: {  	[smem:$0x3FB0] =	sst s3  }
0xc: {  	[smem:$0x3FB1] =	sst s4  }
0xd: {  	[smem:$0x3FB2] =	sst s5  }
0xe: {  	[smem:$0x3FB3] =	sst s6  }
0xf: {  	[smem:$0x3FB4] =	sst s7  }
0x10: {  	[smem:$0x3FB5] =	sst s8  }
0x11: {  	[smem:$0x3FB6] =	sst s9;
	s0 =	simm.s32 @!p0 $0x0  }
0x12: {  	s1 =	sld [smem:$0x3F9C];
	s0 =	simm.s32 @p0 $0x1  }
0x13: {  	[smem:$0x3FB7] =	sst s0;
	s0 =	simm.s32 @!p1 $0x0  }
0x14: {  	s2 =	sld [smem:$0x3F9B];
	s0 =	simm.s32 @p1 $0x1  }
0x15: {  	[smem:$0x3FB8] =	sst s0;
	s0 =	simm.s32 @!p2 $0x0  }
0x16: {  	s3 =	sld [smem:$0x3FDB];
	s0 =	simm.s32 @p2 $0x1  }
0x17: {  	s4 =	simm.s32 $0x1BF5;
	[smem:$0x3FBA] =	sst s0  }
0x18: {  	s0 =	sld [smem:$0x3F9D];
	_ =	swait.ge [sflag:s4], $0x0  }
0x19: {  	s7 =	sld [smem:$0x3F9E]  }
0x1a: {  	s8 =	sadd.s32 $0xFFFFE003, lr  }
0x1b: {  	s9 =	sadd.s32 $0xFFFFFEF7, lr;
	s5 =	simm.s32 $0xFFFFFFFF;
	p2 =	slt.u32 s8, $0xFFFFF086  }
0x1c: {  	p1 =	slt.u32 s9, $0xF7A;
	s5 =	simm.s32 @!p2 $0x0  }
0x1d: {  	s5 =	simm.s32 @p1 $0x1;
	p0 =	seq.s32 s7, s2  }
0x1e: {  	s7 =	smul.u32 @!p0 $0xF7A, s2;
	p2 =	seq.s32 @!p0 s5, $0x0  }
0x1f: {  	s9 =	smul.u32 $0xF7A, s1;
	s8 =	simm.s32 @!p0 $0x1BF5;
	p2 =	por !p2, p0  }
0x20: {  	[sflag:s8] =	ssyncset.s32 @!p0 $0xFFFFF086;
	s6 =	sadd.s32 @!p0 s3, s7;
	s7 =	simm.s32 @!p0 $0x108  }
0x21: {  	s3 =	sadd.s32 s3, s9;
	s6 =	sadd.s32 @!p0 $0x88, s6;
	s7 =	simm.s32 @p2 $0x1082  }
0x22: {  	[simem:s7], [sflag:s8] =	dma.local @!p0 [hbm:s6], $0xF7A  }
0x23: {  	s9 =	sor.u32 $0xD0000000, s2;
	s6 =	simm.s32 $0x108;
	_ =	swait.ge @!p0 [sflag:s8], $0x0  }
0x24: {  	s3 =	sadd.s32 $0x88, s3;
	s6 =	simm.s32 @!p1 $0x1082;
	[sflag:s4] =	ssyncset.s32 $0xFFFFF086  }
0x25: {  	[simem:s6], [sflag:s4] =	dma.local [hbm:s3], $0xF7A  }
0x26: {  	[smem:$0x3F9E] =	sst s1;
	(tag) =	ssettag s2;
	_ =	strace s9  }
0x27: {  	s1 =	sld [smem:$0x3FAE]  }
0x28: {  	s2 =	sld [smem:$0x3FAF]  }
0x29: {  	s4 =	sld [smem:$0x3FB1]  }
0x2a: {  	p0 =	seq.s32 s5, $0x0;
	s5 =	sld [smem:$0x3FB2]  }
0x2b: {  	s6 =	sld [smem:$0x3FB3]  }
0x2c: {  	s7 =	sld [smem:$0x3FB4]  }
0x2d: {  	s3 =	simm.s32 $0x108;
	s8 =	sld [smem:$0x3FB5]  }
0x2e: {  	s3 =	simm.s32 @!p0 $0x1082;
	s9 =	sld [smem:$0x3FB6]  }
0x2f: {  	lr =	sadd.s32 s0, s3;
	s0 =	sld [smem:$0x3FAD]  }
0x30: {  	s3 =	sld [smem:$0x3FB0]  }
0x31: {  	[smem:$0x3FB9] =	sst s10  }
0x32: {  	s10 =	sld [smem:$0x3FB7];
	_ =	sdelay $0x3  }
0x33: {  	p0 =	seq.s32 s10, $0x1;
	s10 =	sld [smem:$0x3FB9];
	_ =	sdelay $0x3  }
0x34: {  	[smem:$0x3FB9] =	sst s10  }
0x35: {  	s10 =	sld [smem:$0x3FB8];
	_ =	sdelay $0x3  }
0x36: {  	p1 =	seq.s32 s10, $0x1;
	s10 =	sld [smem:$0x3FB9];
	_ =	sdelay $0x3  }
0x37: {  	[smem:$0x3FB9] =	sst s10  }
0x38: {  	s10 =	sld [smem:$0x3FBA]  }
0x39: {  	_ = 	snop;
	(pc) =	sbr.ind lr, $3  }
0x3a: {  	_ = 	snop  }
0x3b: {  	_ = 	snop  }
0x3c: {  	p2 =	seq.s32 s10, $0x1;
	s10 =	sld [smem:$0x3FB9]  }
0x3d: {  	_ =	shalt  }
0x3e: {  	_ =	shalt  }
0x3f: {  	_ =	shalt  }
0x40: {  	_ =	shalt  }
0x41: {  	_ =	shalt  }
0x42: {  	_ =	shalt  }
0x43: {  	_ =	shalt  }
0x44: {  	_ =	shalt  }
0x45: {  	_ =	shalt  }
0x46: {  	_ =	shalt  }
0x47: {  	_ =	shalt  }
0x48: {  	_ =	shalt  }
0x49: {  	_ =	shalt  }
0x4a: {  	_ =	shalt  }
0x4b: {  	_ =	shalt  }
0x4c: {  	_ =	shalt  }
0x4d: {  	_ =	shalt  }
0x4e: {  	_ =	shalt  }
0x4f: {  	_ =	shalt  }
0x50: {  	_ =	shalt  }
0x51: {  	_ =	shalt  }
0x52: {  	_ =	shalt  }
0x53: {  	_ =	shalt  }
0x54: {  	_ =	shalt  }
0x55: {  	_ =	shalt  }
0x56: {  	_ =	shalt  }
0x57: {  	_ =	shalt  }
0x58: {  	_ =	shalt  }
0x59: {  	_ =	shalt  }
0x5a: {  	_ =	shalt  }
0x5b: {  	_ =	shalt  }
0x5c: {  	_ =	shalt  }
0x5d: {  	_ =	shalt  }
0x5e: {  	_ =	shalt  }
0x5f: {  	_ =	shalt  }
0x60: {  	_ =	shalt  }
0x61: {  	_ =	shalt  }
0x62: {  	_ =	shalt  }
0x63: {  	_ =	shalt  }
0x64: {  	_ =	shalt  }
0x65: {  	_ =	shalt  }
0x66: {  	_ =	shalt  }
0x67: {  	_ =	shalt  }
0x68: {  	_ =	shalt  }
0x69: {  	_ =	shalt  }
0x6a: {  	_ =	shalt  }
0x6b: {  	_ =	shalt  }
0x6c: {  	_ =	shalt  }
0x6d: {  	_ =	shalt  }
0x6e: {  	_ =	shalt  }
0x6f: {  	_ =	shalt  }
0x70: {  	_ =	shalt  }
0x71: {  	_ =	shalt  }
0x72: {  	_ =	shalt  }
0x73: {  	_ =	shalt  }
0x74: {  	_ =	shalt  }
0x75: {  	_ =	shalt  }
0x76: {  	_ =	shalt  }
0x77: {  	_ =	shalt  }
0x78: {  	_ =	shalt  }
0x79: {  	_ =	shalt  }
0x7a: {  	_ =	shalt  }
0x7b: {  	_ =	shalt  }
0x7c: {  	_ =	shalt  }
0x7d: {  	_ =	shalt  }
0x7e: {  	_ =	shalt  }
0x7f: {  	_ =	shalt  }
0x80: {  	_ =	shalt  }
0x81: {  	_ =	shalt  }
0x82: {  	_ =	shalt  }
0x83: {  	_ =	shalt  }
0x84: {  	_ =	shalt  }
0x85: {  	_ =	shalt  }
0x86: {  	_ =	shalt  }
0x87: {  	_ =	shalt  }
.Lfunc_end0:
.L_simem_size_0:
called_computation_lowered:
.L_overlay_start_0:
0x88: {  	s2 =	sld [smem:$0x3FD9]  }
0x89: {  	s3 =	sld [smem:$0x3FFE];
	_ =	sdelay $0x1  }
0x8a: {  	s1 =	srdreg.scid  }
0x8b: {  	s0 =	sand.u32 $0x1, s1  }
0x8c: {  	s17 =	sshll.u32 s0, $0xA;
	s2 =	sadd.s32 s3, s2  }
0x8d: {  	s2 =	sadd.s32 s2, s17  }
0x8e: {  	[smem:$0x3FC5] =	sst s2  }
0x8f: {  	_ = 	snop  }
0x90: {  	s2 =	sld [smem:$0x3FC9]  }
0x91: {  	s18 =	sld [smem:$0x3FC8]  }
0x92: {  	s4 =	sld [smem:$0x3FC7];
	(tm) =	ssettm $0x1  }
0x93: {  	s5 =	sld [smem:$0x3FFB];
	_ =	sdelay $0x3  }
0x94: {  	_ =	strace s5  }
0x95: {  	s5 =	sld [smem:$0x3FFC];
	_ =	sdelay $0x3  }
0x96: {  	_ =	strace s5  }
0x97: {  	s5 =	sld [smem:$0x3FFD];
	_ =	sdelay $0x3  }
0x98: {  	_ =	strace s5  }
0x99: {  	_ =	strace $0x8FFFFFFF  }
0x9a: {  	s19 =	sld [smem:$0x3FDB];
	_ =	sdelay $0x1  }
0x9b: {  	s6 =	simm.s32 $_scs_section_size  }
0x9c: {  	s7 =	simm.s32 $_size__tile_overlayer_lowered;
	s8 =	simm.s32 $_tile_overlayer_lowered  }
0x9d: {  	s22 =	simm.s32 $0x1BFF;
	s21 =	sshll.u32 s8, $0x1;
	s5 =	sadd.s32 s6, s19  }
0x9e: {  	s9 =	simm.s32 $0x0;
	s20 =	sshll.u32 s7, $0x1;
	s7 =	sadd.s32 s21, s5  }
0x9f: {  	[timem:s9], [sflag:s22] =	dma.local [hbm:s7], s20  }
0xa0: {  	_ =	swait.ge [sflag:s22], s20  }
0xa1: {  	s6 =	ssub.s32 $0x0, s20;
	[sflag:s22] =	ssyncset.done $0x0  }
0xa2: {  	[sflag:s22] =	ssyncadd.s32 s6;
	_ =	sdelay $0x1  }
0xa3: {  	s23 =	simm.s32 $0x1B8B  }
0xa4: {  	_ =	swait.ge [sflag:s23], $0x1  }
0xa5: {  	[sflag:s23] =	ssyncset.done $0x0  }
0xa6: {  	s25 =	simm.s32 $0x1B8E;
	s24 =	sld [smem:$0x3FFE];
	[sflag:s23] =	ssyncadd.s32 $0xFFFFFFFF  }
0xa7: {  	s26 =	simm.s32 $execute0_lowered;
	[smem:$0x3FD2] =	sst s25  }
0xa8: {  	s7 =	sshll.u32 s26, $0x1;
	_ =	strace $0x80000046;
	[dreg:$0x1] =	wrdreg $0xFFFFFFFF  }
0xa9: {  	s28 =	simm.s32 $_size_execute0_lowered;
	s5 =	sadd.s32 s5, s7;
	[dreg:$0x0] =	wrdreg $0x0  }
0xaa: {  	s7 =	sshll.u32 s28, $0x1;
	[dreg:$0x2] =	wrdreg s5  }
0xab: {  	[dreg:$0x3] =	wrdreg s7  }
0xac: {  	[dreg:$0x4] =	wrdreg $0xC0  }
0xad: {  	_ =	task [dreg:s9], $0x5FFFF  }
0xae: {  	[dreg:$0x1] =	wrdreg $0xFFFFFFFF  }
0xaf: {  	[dreg:$0x0] =	wrdreg $0x60  }
0xb0: {  	[dreg:$0x2] =	wrdreg s2  }
0xb1: {  	[dreg:$0x3] =	wrdreg s18  }
0xb2: {  	[dreg:$0x4] =	wrdreg s4  }
0xb3: {  	[dreg:$0x5] =	wrdreg s24  }
0xb4: {  	[dreg:$0x6] =	wrdreg $0x9  }
0xb5: {  	_ =	task.clear_ibuf [dreg:s9], $0x7FFFF;
	_ =	strace $0x90000046  }
0xb6: {  	s29 =	simm.s32 $0x9;
	_ =	strace $0x80000048  }
0xb7: {  	_ =	swait.ge [sflag:s29], $0x1  }
0xb8: {  	[sflag:s29] =	ssyncadd.s32 $0xFFFFFFFF  }
0xb9: {  	_ =	strace $0x90000048  }
0xba: {  	_ =	sfence  }
0xbb: {  	s30 =	sld [smem:$0x0];
	_ =	sdelay $0x2  }
0xbc: {  	s31 =	sshll.u32 s1, $0xD;
	s1 =	sshrl.u32 s1, $0x2  }
0xbd: {  	s3 =	sand.u32 $0x4000, s31;
	s1 =	sadd.s32 s1, s30  }
0xbe: {  	s0 =	sor.u32 s3, s0;
	s1 =	sshll.u32 s1, $0x11  }
0xbf: {  	s0 =	sor.u32 s1, s0  }
0xc0: {  	s0 =	sadd.s32 $0x8F2B, s0  }
0xc1: {  	[sflag:s0] =	ssyncadd.remote.s32 $0x1  }
0xc2: {  	_ =	sfence.sel $0xFFFF  }
0xc3: {  	[dreg:$0x0] =	wrdreg $0xFFFFFFFF;
	(pc) =	sbr.abs _section_cstart, $3  }
0xc4: {  	[dreg:$0x1] =	wrdreg $0xFFFFFFFF  }
0xc5: {  	_ =	task.clear_ibuf [dreg:s9], $0x2FFFF;
	_ =	strace $0x9FFFFFFF  }
0xc6: {  	(tm) =	ssettm $0x7FFFFFFF  }
0xc7: {  	_ =	shalt  }
tec
execute0_lowered:
.L_overlay_start_1:
0x0: {  	(tag) =	ssettag $0x1  }
0x1: {  	s3 =	rddreg [dreg:$0x0]  }
0x2: {  	s4 =	rddreg [dreg:$0x1]  }
0x3: {  	s5 =	rddreg [dreg:$0x2];
	s1 =	srdreg.scid  }
0x4: {  	s0 =	stileid.u32;
	s6 =	rddreg [dreg:$0x3]  }
0x5: {  	s2 =	simm.s32 $0x0;
	s10 =	simm.s32 $0x1;
	s11 =	simm.s32 $0x1800  }
0x6: {  	s12 =	simm.s32 $0x2;
	s7 =	sand.u32 $0x1, s1;
	s1 =	rddreg [dreg:$0x4]  }
0x7: {  	s13 =	simm.s32 $0x0;
	s8 =	sshll.u32 s0, $0x1;
	[smem:$0x7FF] =	sst s2  }
0x8: {  	s8 =	sor.u32 s7, s8;
	_ =	strace $0x80000047;
	s7 =	ssub.s32 $0x2, s7  }
0x9: {  	s9 =	smul.u32 $0xC0, s8;
	s31 =	sshrl.u32 s7, $0x1;
	s8 =	sshll.u32 s8, $0x8  }
0xa: {  	s7 =	ssub.s32 s7, s31;
	s3 =	sadd.s32 s3, s8;
	s4 =	sadd.s32 s4, s8  }
0xb: {  	s5 =	sadd.s32 s5, s8;
	s8 =	simm.s32 $0x800;
	s6 =	sadd.s32 s9, s6  }
0xc: {  	v0 =	vimm.f32 $0.0e+00;
	s7 =	smax.u32 s7, $0x1;
	s9 =	simm.s32 $0x1000;
	s6 =	sadd.s32 $0x600, s6  }
.LBB2_1:
0xd: {  	[tilespmem:s2], [sflag:$0x1] =	stream.linear.gather [hbm4b:s3+s2], $0x800, $0x38;
	[tilespmem:$0x1E00] =	vst v63  }
0xe: {  	_ = 	snop  }
0xf: {  	[tilespmem:s8], [sflag:$0x1] =	stream.linear.gather [hbm4b:s4+s2], $0x800, $0x38;
	[tilespmem:$0x1E00] =	vst v63  }
0x10: {  	s14 =	simm.s32 $0x1820  }
0x11: {  	[tilespmem:s9], [sflag:$0x1] =	stream.linear.gather [hbm4b:s5+s2], $0x800, $0x38;
	[tilespmem:$0x1E00] =	vst v63  }
0x12: {  	[tilespmem:s14+$0xFFFFFFE0] =	vst v0  }
0x13: {  	[tilespmem:s14+$0x10] =	vst v0  }
0x14: {  	s15 =	simm.s32 $0x0;
	[tilespmem:s14+$0x0] =	vst v0  }
.LBB2_2:
0x15: {  	s15 =	sadd.s32 $0x4, s15  }
0x16: {  	[tilespmem:s14+$0xFFFFFFF0] =	vst v0;
	s14 =	sadd.s32 $0x40, s14;
	p0 =	slt.u32 s15, $0x5C  }
.Ltmp0:
0x17: {  	[tilespmem:s14+$0xFFFFFFE0] =	vst v0;
	(pc) =	sbr.rel @p0 .LBB2_2-.Ltmp0, $3  }
0x18: {  	_ =	sdelay $0x1  }
0x19: {  	[tilespmem:s14+$0x10] =	vst v0  }
0x1a: {  	[tilespmem:s14+$0x0] =	vst v0  }
0x1b: {  	[tilespmem:s14+$0xFFFFFFF0] =	vst v0  }
0x1c: {  	_ =	swait.ge [sflag:s10], $0x800  }
0x1d: {  	[sflag:s10] =	ssyncset.done $0x0  }
0x1e: {  	[sflag:s10] =	ssyncadd.s32 $0xFFFFF800  }
0x1f: {  	_ =	swait.ge [sflag:s10], $0x800  }
0x20: {  	[sflag:s10] =	ssyncset.done $0x0  }
0x21: {  	[sflag:s10] =	ssyncadd.s32 $0xFFFFF800  }
0x22: {  	_ =	swait.ge [sflag:s10], $0x800  }
0x23: {  	[sflag:s10] =	ssyncset.done $0x0  }
0x24: {  	s15 =	simm.s32 $0x40;
	[sflag:s10] =	ssyncadd.s32 $0xFFFFF800  }
0x25: {  	v1 =	vld [tilespmem:s15+$0x30];
	_ =	sdelay $0x2  }
0x26: {  	v2 =	vld [tilespmem:s15+$0xFFFFFFD0]  }
0x27: {  	v4 =	vld [tilespmem:s15+$0xFFFFFFE0]  }
0x28: {  	v5 =	vld [tilespmem:s15+$0xFFFFFFF0];
	v3 =	vmax.f32 v1, $-2.000000000e+01  }
0x29: {  	v6 =	vld [tilespmem:s15+$0x0];
	v3 =	vmin.f32 v3, $2.000000000e+01  }
0x2a: {  	v7 =	vld [tilespmem:s15+$0x10];
	v3 =	vmul.f32 $1.442695020e+00, v3  }
0x2b: {  	v8 =	vld [tilespmem:s15+$0x20]  }
0x2c: {  	s14 =	simm.s32 $0x840;
	v9 =	vld [tilespmem:s15+$0xFFFFFFC0];
	(erf) = vpow2.f32 v3  }
0x2d: {  	s15 =	simm.s32 $0x1040;
	v3 =	vld [tilespmem:s14+$0x30]  }
0x2e: {  	v10 =	vld [tilespmem:s15+$0x30]  }
0x2f: {  	v49 =	vld [tilespmem:s14+$0xFFFFFFD0]  }
0x30: {  	v50 =	vld [tilespmem:s14+$0xFFFFFFE0];
	v11 =	vmax.f32 v2, $-2.000000000e+01  }
0x31: {  	v52 =	vld [tilespmem:s14+$0xFFFFFFF0];
	v14 =	vmax.f32 v4, $-2.000000000e+01;
	v16 =	vmax.f32 v9, $-2.000000000e+01;
	v11 =	vmin.f32 v11, $2.000000000e+01  }
0x32: {  	v22 =	vld [tilespmem:s14+$0x0];
	v14 =	vmin.f32 v14, $2.000000000e+01;
	v11 =	vmul.f32 $1.442695020e+00, v11;
	v18 =	vadd.s32 $0x200, v3  }
0x33: {  	v27 =	vld [tilespmem:s14+$0x10];
	v16 =	vmin.f32 v16, $2.000000000e+01;
	v10 =	vcvt.s32.f32 v10;
	v14 =	vmul.f32 $1.442695020e+00, v14  }
0x34: {  	v12 =	vld [tilespmem:s15+$0xFFFFFFC0];
	v16 =	vmul.f32 $1.442695020e+00, v16;
	(erf) = vpow2.f32 v11  }
0x35: {  	v13 =	vld [tilespmem:s15+$0xFFFFFFD0];
	v1 =	vmul.f32 v10, v1;
	(erf) = vpow2.f32 v14;
	v21 =	vpop (erf)  }
0x36: {  	(erf) = vpow2.f32 v16;
	[tilespmem:v3+s11+$0x0] =	vst.idx.add.f32.msk $0xffff, v21  }
0x37: {  	[tilespmem:v18+s11+$0x0] =	vst.idx.add.f32.msk $0xffff, v1  }
0x38: {  	v1 =	vld [tilespmem:s14+$0xFFFFFFC0]  }
0x39: {  	v15 =	vld [tilespmem:s15+$0xFFFFFFE0]  }
0x3a: {  	v17 =	vld [tilespmem:s15+$0xFFFFFFF0];
	v48 =	vadd.s32 $0x400, v3  }
0x3b: {  	v19 =	vld [tilespmem:s15+$0x0];
	v3 =	vmax.f32 v5, $-2.000000000e+01  }
0x3c: {  	v47 =	vld [tilespmem:s15+$0x10];
	v29 =	vadd.s32 $0x200, v49;
	v13 =	vcvt.s32.f32 v13;
	v3 =	vmin.f32 v3, $2.000000000e+01  }
0x3d: {  	v20 =	vld [tilespmem:s15+$0x20];
	v51 =	vmax.f32 v6, $-2.000000000e+01;
	v24 =	vmax.f32 v7, $-2.000000000e+01;
	v53 =	vpop (erf);
	v3 =	vmul.f32 $1.442695020e+00, v3  }
0x3e: {  	v30 =	vadd.s32 $0x400, v49;
	v2 =	vmul.f32 v13, v2;
	v14 =	vmin.f32 v51, $2.000000000e+01;
	v25 =	vpop (erf);
	[tilespmem:v49+s11+$0x0] =	vst.idx.add.f32.msk $0xffff, v53  }
0x3f: {  	v54 =	vmax.f32 v8, $-2.000000000e+01;
	v14 =	vmul.f32 $1.442695020e+00, v14;
	[tilespmem:v48+s11+$0x0] =	vst.idx.add.f32.msk $0xffff, v10;
	v28 =	vpop (erf);
	(erf) = vpow2.f32 v3  }
0x40: {  	v23 =	vadd.s32 $0x200, v1;
	v26 =	vadd.s32 $0x400, v1;
	[tilespmem:v1+s11+$0x0] =	vst.idx.add.f32.msk $0xffff, v28;
	v1 =	vmin.f32 v24, $2.000000000e+01  }
0x41: {  	v55 =	vadd.s32 $0x200, v50;
	v12 =	vcvt.s32.f32 v12;
	[tilespmem:v29+s11+$0x0] =	vst.idx.add.f32.msk $0xffff, v2;
	v1 =	vmul.f32 $1.442695020e+00, v1  }
0x42: {  	v57 =	vadd.s32 $0x400, v50;
	v56 =	vcvt.s32.f32 v15;
	[tilespmem:v50+s11+$0x0] =	vst.idx.add.f32.msk $0xffff, v25;
	(erf) = vpow2.f32 v14  }
0x43: {  	v58 =	vmin.f32 v54, $2.000000000e+01;
	v9 =	vmul.f32 v12, v9;
	[tilespmem:v30+s11+$0x0] =	vst.idx.add.f32.msk $0xffff, v13;
	(erf) = vpow2.f32 v1  }
0x44: {  	v3 =	vld [tilespmem:s14+$0x20];
	v1 =	vmul.f32 v56, v4;
	v4 =	vmul.f32 $1.442695020e+00, v58  }
0x45: {  	v2 =	vadd.s32 $0x200, v52;
	[tilespmem:v23+s11+$0x0] =	vst.idx.add.f32.msk $0xffff, v9  }
0x46: {  	v60 =	vadd.s32 $0x400, v52;
	v59 =	vcvt.s32.f32 v17;
	[tilespmem:v26+s11+$0x0] =	vst.idx.add.f32.msk $0xffff, v12  }
0x47: {  	[tilespmem:v55+s11+$0x0] =	vst.idx.add.f32.msk $0xffff, v1  }
0x48: {  	(erf) = vpow2.f32 v4;
	v1 =	vmul.f32 v59, v5;
	v5 =	vadd.s32 $0x200, v22;
	[tilespmem:v57+s11+$0x0] =	vst.idx.add.f32.msk $0xffff, v56;
	v4 =	vpop (erf)  }
0x49: {  	v62 =	vadd.s32 $0x400, v22;
	v61 =	vcvt.s32.f32 v19;
	[tilespmem:v52+s11+$0x0] =	vst.idx.add.f32.msk $0xffff, v4  }
0x4a: {  	[tilespmem:v2+s11+$0x0] =	vst.idx.add.f32.msk $0xffff, v1  }
0x4b: {  	v4 =	vadd.s32 $0x200, v27;
	v1 =	vmul.f32 v61, v6;
	v2 =	vpop (erf);
	[tilespmem:v60+s11+$0x0] =	vst.idx.add.f32.msk $0xffff, v59  }
0x4c: {  	v63 =	vadd.s32 $0x400, v27;
	v11 =	vcvt.s32.f32 v47;
	[tilespmem:v22+s11+$0x0] =	vst.idx.add.f32.msk $0xffff, v2  }
0x4d: {  	[tilespmem:v5+s11+$0x0] =	vst.idx.add.f32.msk $0xffff, v1  }
0x4e: {  	v2 =	vmul.f32 v11, v7;
	v5 =	vpop (erf);
	[tilespmem:v62+s11+$0x0] =	vst.idx.add.f32.msk $0xffff, v61  }
0x4f: {  	v1 =	vcvt.s32.f32 v20;
	[tilespmem:v27+s11+$0x0] =	vst.idx.add.f32.msk $0xffff, v5  }
0x50: {  	[tilespmem:v4+s11+$0x0] =	vst.idx.add.f32.msk $0xffff, v2  }
0x51: {  	s16 =	simm.s32 $0x0;
	s17 =	simm.s32 $0xC0;
	v6 =	vadd.s32 $0x200, v3;
	v4 =	vmul.f32 v1, v8;
	v5 =	vpop (erf);
	v2 =	vadd.s32 $0x400, v3;
	[tilespmem:v63+s11+$0x0] =	vst.idx.add.f32.msk $0xffff, v11  }
.LBB2_4:
0x52: {  	v7 =	vld [tilespmem:s17+$0x30]  }
0x53: {  	v8 =	vld [tilespmem:s17+$0xFFFFFFD0]  }
0x54: {  	s16 =	sadd.s32 $0x8, s16;
	v9 =	vld [tilespmem:s17+$0xFFFFFFE0]  }
0x55: {  	p0 =	slt.u32 s16, $0x78;
	v10 =	vld [tilespmem:s17+$0xFFFFFFF0]  }
0x56: {  	v11 =	vld [tilespmem:s17+$0x0]  }
0x57: {  	v12 =	vld [tilespmem:s17+$0x10];
	v13 =	vmax.f32 v7, $-2.000000000e+01  }
0x58: {  	v14 =	vmax.f32 v8, $-2.000000000e+01;
	v15 =	vld [tilespmem:s17+$0x20];
	v13 =	vmin.f32 v13, $2.000000000e+01  }
0x59: {  	v16 =	vld [tilespmem:s17+$0xFFFFFFC0];
	v14 =	vmin.f32 v14, $2.000000000e+01;
	v17 =	vmax.f32 v9, $-2.000000000e+01;
	v13 =	vmul.f32 $1.442695020e+00, v13  }
0x5a: {  	v14 =	vmul.f32 $1.442695020e+00, v14;
	v17 =	vmin.f32 v17, $2.000000000e+01;
	v18 =	vmax.f32 v10, $-2.000000000e+01;
	[tilespmem:v3+s11+$0x0] =	vst.idx.add.f32.msk $0xffff, v5  }
0x5b: {  	s14 =	sadd.s32 $0x80, s14;
	v3 =	vmin.f32 v18, $2.000000000e+01;
	v5 =	vmax.f32 v11, $-2.000000000e+01;
	(erf) = vpow2.f32 v13;
	[tilespmem:v6+s11+$0x0] =	vst.idx.add.f32.msk $0xffff, v4  }
0x5c: {  	s15 =	sadd.s32 $0x80, s15;
	v4 =	vmul.f32 $1.442695020e+00, v17;
	v5 =	vmin.f32 v5, $2.000000000e+01;
	v6 =	vmax.f32 v12, $-2.000000000e+01;
	v13 =	vld [tilespmem:s14+$0x30]  }
0x5d: {  	v3 =	vmul.f32 $1.442695020e+00, v3;
	v6 =	vmin.f32 v6, $2.000000000e+01;
	v17 =	vmax.f32 v15, $-2.000000000e+01;
	v18 =	vld [tilespmem:s15+$0x30]  }
0x5e: {  	v5 =	vmul.f32 $1.442695020e+00, v5;
	v19 =	vld [tilespmem:s15+$0xFFFFFFC0];
	v20 =	vmax.f32 v16, $-2.000000000e+01;
	v17 =	vmin.f32 v17, $2.000000000e+01  }
0x5f: {  	v6 =	vmul.f32 $1.442695020e+00, v6;
	v20 =	vmin.f32 v20, $2.000000000e+01;
	v21 =	vld [tilespmem:s15+$0xFFFFFFD0];
	v17 =	vmul.f32 $1.442695020e+00, v17  }
0x60: {  	v20 =	vmul.f32 $1.442695020e+00, v20;
	v22 =	vld [tilespmem:s15+$0xFFFFFFE0];
	(erf) = vpow2.f32 v14  }
0x61: {  	v14 =	vld [tilespmem:s15+$0xFFFFFFF0];
	v23 =	vadd.s32 $0x200, v13;
	(erf) = vpow2.f32 v4  }
0x62: {  	v24 =	vadd.s32 $0x400, v13;
	v4 =	vld [tilespmem:s15+$0x0];
	v18 =	vcvt.s32.f32 v18;
	(erf) = vpow2.f32 v20  }
0x63: {  	v19 =	vcvt.s32.f32 v19;
	v20 =	vld [tilespmem:s15+$0x10];
	(erf) = vpow2.f32 v3  }
0x64: {  	v3 =	vld [tilespmem:s15+$0x20];
	v7 =	vmul.f32 v18, v7;
	(erf) = vpow2.f32 v5;
	v5 =	vpop (erf)  }
0x65: {  	v21 =	vcvt.s32.f32 v21;
	[tilespmem:v13+s11+$0x0] =	vst.idx.add.f32.msk $0xffff, v5;
	(erf) = vpow2.f32 v6  }
0x66: {  	v13 =	vcvt.s32.f32 v22;
	[tilespmem:v23+s11+$0x0] =	vst.idx.add.f32.msk $0xffff, v7;
	(erf) = vpow2.f32 v17  }
0x67: {  	v7 =	vcvt.s32.f32 v14;
	v14 =	vcvt.s32.f32 v4;
	[tilespmem:v24+s11+$0x0] =	vst.idx.add.f32.msk $0xffff, v18  }
0x68: {  	v16 =	vmul.f32 v19, v16;
	v6 =	vld [tilespmem:s14+$0xFFFFFFC0];
	v17 =	vcvt.s32.f32 v20  }
0x69: {  	v8 =	vmul.f32 v21, v8;
	v18 =	vld [tilespmem:s14+$0xFFFFFFD0];
	v20 =	vcvt.s32.f32 v3;
	v22 =	vpop (erf)  }
0x6a: {  	v9 =	vmul.f32 v13, v9;
	v10 =	vmul.f32 v7, v10;
	v23 =	vld [tilespmem:s14+$0xFFFFFFE0];
	v24 =	vpop (erf)  }
0x6b: {  	v11 =	vmul.f32 v14, v11;
	v12 =	vmul.f32 v17, v12;
	v25 =	vld [tilespmem:s14+$0xFFFFFFF0];
	v26 =	vpop (erf)  }
0x6c: {  	v4 =	vmul.f32 v20, v15;
	v27 =	vld [tilespmem:s14+$0x0];
	v15 =	vpop (erf)  }
0x6d: {  	v28 =	vadd.s32 $0x200, v6;
	v29 =	vadd.s32 $0x400, v6;
	v30 =	vld [tilespmem:s14+$0x10];
	v31 =	vpop (erf)  }
0x6e: {  	v32 =	vadd.s32 $0x200, v18;
	v33 =	vadd.s32 $0x400, v18;
	v3 =	vld [tilespmem:s14+$0x20];
	v34 =	vpop (erf)  }
0x6f: {  	v35 =	vadd.s32 $0x200, v23;
	v36 =	vadd.s32 $0x400, v23;
	v5 =	vpop (erf);
	[tilespmem:v2+s11+$0x0] =	vst.idx.add.f32.msk $0xffff, v1;
	v1 =	vmov v20  }
0x70: {  	[tilespmem:v6+s11+$0x0] =	vst.idx.add.f32.msk $0xffff, v26;
	v20 =	vadd.s32 $0x200, v25;
	v26 =	vadd.s32 $0x400, v25  }
0x71: {  	[tilespmem:v18+s11+$0x0] =	vst.idx.add.f32.msk $0xffff, v22;
	v18 =	vadd.s32 $0x200, v27;
	v22 =	vadd.s32 $0x400, v27  }
0x72: {  	[tilespmem:v28+s11+$0x0] =	vst.idx.add.f32.msk $0xffff, v16;
	v16 =	vadd.s32 $0x200, v30;
	v28 =	vadd.s32 $0x400, v30  }
0x73: {  	[tilespmem:v29+s11+$0x0] =	vst.idx.add.f32.msk $0xffff, v19;
	v6 =	vadd.s32 $0x200, v3;
	v2 =	vadd.s32 $0x400, v3  }
0x74: {  	[tilespmem:v32+s11+$0x0] =	vst.idx.add.f32.msk $0xffff, v8  }
0x75: {  	[tilespmem:v33+s11+$0x0] =	vst.idx.add.f32.msk $0xffff, v21  }
0x76: {  	[tilespmem:v23+s11+$0x0] =	vst.idx.add.f32.msk $0xffff, v24  }
0x77: {  	[tilespmem:v35+s11+$0x0] =	vst.idx.add.f32.msk $0xffff, v9  }
0x78: {  	[tilespmem:v36+s11+$0x0] =	vst.idx.add.f32.msk $0xffff, v13  }
0x79: {  	[tilespmem:v25+s11+$0x0] =	vst.idx.add.f32.msk $0xffff, v15  }
0x7a: {  	[tilespmem:v20+s11+$0x0] =	vst.idx.add.f32.msk $0xffff, v10  }
0x7b: {  	[tilespmem:v26+s11+$0x0] =	vst.idx.add.f32.msk $0xffff, v7  }
0x7c: {  	[tilespmem:v27+s11+$0x0] =	vst.idx.add.f32.msk $0xffff, v31  }
.Ltmp1:
0x7d: {  	[tilespmem:v18+s11+$0x0] =	vst.idx.add.f32.msk $0xffff, v11;
	(pc) =	sbr.rel @p0 .LBB2_4-.Ltmp1, $4  }
0x7e: {  	[tilespmem:v22+s11+$0x0] =	vst.idx.add.f32.msk $0xffff, v14  }
0x7f: {  	[tilespmem:v30+s11+$0x0] =	vst.idx.add.f32.msk $0xffff, v34  }
0x80: {  	[tilespmem:v16+s11+$0x0] =	vst.idx.add.f32.msk $0xffff, v12  }
0x81: {  	s17 =	sadd.s32 $0x80, s17;
	[tilespmem:v28+s11+$0x0] =	vst.idx.add.f32.msk $0xffff, v17  }
0x82: {  	_ =	sdelay $0x3  }
0x83: {  	[tilespmem:v3+s11+$0x0] =	vst.idx.add.f32.msk $0xffff, v5;
	s13 =	sadd.s32 $0x1, s13  }
0x84: {  	[tilespmem:v6+s11+$0x0] =	vst.idx.add.f32.msk $0xffff, v4;
	p0 =	sne.s32 s13, s7  }
.Ltmp2:
0x85: {  	[tilespmem:v2+s11+$0x0] =	vst.idx.add.f32.msk $0xffff, v1;
	(pc) =	sbr.rel @p0 .LBB2_1-.Ltmp2, $4  }
0x86: {  	[hbm4b:s6+s2] =	stream.linear.scatter [tilespmem:s11], [sflag:$0x2], $0x600, $0x38;
	[tilespmem:$0x1E00] =	vst v63  }
0x87: {  	_ =	swait.ge [sflag:s12], $0x600  }
0x88: {  	[sflag:s12] =	ssyncset.done $0x0  }
0x89: {  	[sflag:s12] =	ssyncadd.s32 $0xFFFFFA00  }
0x8a: {  	_ =	sfence.sel $0x180000  }
0x8b: {  	[bflag:$0x0] =	sbarrier.arrive $0xFFFF  }
0x8c: {  	p0 =	sne.s32 s0, $0x0;
	_ =	strace $0x90000047  }
0x8d: {  	s0 =	sadd.s32 @!p0 $0x100000, s1;
	[bflag:$0x2] =	sbarrier.arrive $0xFFFF  }
0x8e: {  	[sflag:s0] =	ssyncadd.tile.s32 @!p0 $0x1;
	_ =	shalt  }
.Lfunc_end2:
_tile_overlayer_lowered:
.L_overlay_start_2:
0x8f: {  	(tag) =	ssettag $0x2  }
0x90: {  	s0 =	rddreg [dreg:$0x0];
	s2 =	stileid.u32  }
0x91: {  	s1 =	rddreg [dreg:$0x1];
	p0 =	sne.s32 s2, $0x0  }
0x92: {  	s3 =	rddreg [dreg:$0x2];
	[bflag:$0x3] =	sbarrier.arrive $0xFFFF;
	s2 =	simm.s32 @!p0 $0x1C02  }
0x93: {  	[timem:s3], [sflag:s2] =	dma.local @!p0 [hbm:s0], s1  }
0x94: {  	s0 =	simm.s32 @!p0 $0x2  }
0x95: {  	_ =	swait.ge @!p0 [sflag:s0], s1  }
0x96: {  	s1 =	ssub.s32 @!p0 $0x0, s1;
	[sflag:s0] =	ssyncset.done @!p0 $0x0  }
0x97: {  	[sflag:s0] =	ssyncadd.s32 @!p0 s1  }
0x98: {  	[bflag:$0x3] =	sbarrier.arrive $0xFFFF  }
0x99: {  	_ =	shalt  }

</sc_bundles>
